<compile_context>
chip_gen: v7x
topology: tpu7x:2x2x1
jax: 0.10.2.dev20260603
libtpu: 0.0.44.dev20260713+nightly
codegen_flags: <defaults>
</compile_context>

<pallas_src>
import functools

import jax
import jax.numpy as jnp
from jax import lax
from jax.experimental import pallas as pl
from jax.experimental.pallas import tpu as pltpu
from jax.experimental.pallas import tpu_sc as plsc

D = 256
K = 8192
BN = 2048
SB = 512
COMMITMENT_COST_ = 0.25

SC_CORES = 2
SC_SUBCORES = 16
SC_WORKERS = SC_CORES * SC_SUBCORES
GATHER_CHUNK = 128


def _dist_argmin_body(x_ref, cb_ref, esq_ref, iota_ref, idx_ref, loss_ref,
                      acc_ref):
    i = pl.program_id(0)
    nsteps = pl.num_programs(0)

    cb = cb_ref[...]
    esq = esq_ref[...]
    iota = iota_ref[...]

    @pl.when(i == 0)
    def _():
        acc_ref[...] = jnp.zeros((1, 1), jnp.float32)

    for s in range(BN // SB):
        ss = slice(s * SB, (s + 1) * SB)
        x = x_ref[ss, :]
        z_sq = jnp.sum(x * x, axis=1, keepdims=True)
        dots2 = lax.dot_general(
            x * (-2.0), cb, (((1,), (1,)), ((), ())),
            preferred_element_type=jnp.float32)
        dists = dots2 + z_sq + esq
        m = jnp.min(dists, axis=1, keepdims=True)
        idxf = jnp.min(jnp.where(dists == m, iota, jnp.float32(K)),
                       axis=1, keepdims=True)
        idx_ref[ss, :] = idxf.astype(jnp.int32)
        acc_ref[...] += jnp.sum(m).reshape(1, 1)

    @pl.when(i == nsteps - 1)
    def _():
        e_loss = acc_ref[...] / jnp.float32(nsteps * BN * D)
        loss_ref[...] = e_loss + COMMITMENT_COST_ * e_loss


def _tc_dist_argmin(flat, codebook, e_sq, iota_row):
    n = flat.shape[0]
    grid = n // BN
    return pl.pallas_call(
        _dist_argmin_body,
        grid=(grid,),
        in_specs=[
            pl.BlockSpec((BN, D), lambda i: (i, 0)),
            pl.BlockSpec((K, D), lambda i: (0, 0)),
            pl.BlockSpec((1, K), lambda i: (0, 0)),
            pl.BlockSpec((1, K), lambda i: (0, 0)),
        ],
        out_specs=[
            pl.BlockSpec((BN, 1), lambda i: (i, 0)),
            pl.BlockSpec((1, 1), lambda i: (0, 0)),
        ],
        out_shape=[
            jax.ShapeDtypeStruct((n, 1), jnp.int32),
            jax.ShapeDtypeStruct((1, 1), jnp.float32),
        ],
        scratch_shapes=[pltpu.VMEM((1, 1), jnp.float32)],
    )(flat, codebook, e_sq, iota_row)


def _sc_gather(codebook, indices):
    n = indices.shape[0]
    b_per_w = n // SC_WORKERS
    mesh = plsc.VectorSubcoreMesh(core_axis_name="c", subcore_axis_name="s")

    nbuf = 4
    ch = GATHER_CHUNK // 2

    @functools.partial(
        pl.kernel,
        mesh=mesh,
        out_type=jax.ShapeDtypeStruct((n, D), jnp.float32),
        scratch_types=(
            [pltpu.VMEM((ch,), jnp.int32)] * nbuf
            + [pltpu.VMEM((ch, D), jnp.float32)] * nbuf
            + [pltpu.SemaphoreType.DMA] * nbuf
        ),
    )
    def k(cb_hbm, idx_hbm, out_hbm, *scratch):
        idx_vs = scratch[:nbuf]
        rows_vs = scratch[nbuf:2 * nbuf]
        sems = scratch[2 * nbuf:]
        wid = lax.axis_index("s") * SC_CORES + lax.axis_index("c")
        base = wid * b_per_w

        @pl.loop(0, b_per_w, step=nbuf * ch)
        def _(off):
            for b in range(nbuf):
                o = base + off + b * ch
                pltpu.sync_copy(idx_hbm.at[pl.ds(o, ch)], idx_vs[b])
                pltpu.async_copy(cb_hbm.at[idx_vs[b]], rows_vs[b], sems[b])
            for b in range(nbuf):
                o = base + off + b * ch
                pltpu.make_async_copy(cb_hbm.at[idx_vs[b]], rows_vs[b],
                                      sems[b]).wait()
                pltpu.sync_copy(rows_vs[b], out_hbm.at[pl.ds(o, ch)])

    return k(codebook, indices)


def kernel(weights, codebook):
    flat = weights.reshape(-1, D)
    e_sq = jnp.sum(codebook * codebook, axis=1)[None, :]
    iota_row = jnp.arange(K, dtype=jnp.float32)[None, :]
    idx2d, loss = _tc_dist_argmin(flat, codebook, e_sq, iota_row)
    indices = idx2d.reshape(-1)
    quantized = _sc_gather(codebook, indices)
    return quantized.reshape(weights.shape), loss[0, 0]

# --- scband reference (transcript-rebuilt; emitter-appended) ---
"""Pipeline reference for scband-codebook-vq-4183298146909 (READ-ONLY COPY).

The authoritative reference and input builder live on the scoring server;
editing this copy changes nothing except your own understanding.
"""

import jax, jax.numpy as jnp
import numpy as np

NUM_EMBEDDINGS = 8192
EMBEDDING_DIM = 256
COMMITMENT_COST = 0.25


def setup_inputs(seed: int = 0) -> dict:
    key = jax.random.key(seed)
    k1, k2 = jax.random.split(key)
    weights = jax.random.normal(k1, (32768, EMBEDDING_DIM), dtype=jnp.float32)
    # learned codebook parameter (nn.Embedding-style init, uniform in [-1/K, 1/K])
    codebook = jax.random.uniform(
        k2, (NUM_EMBEDDINGS, EMBEDDING_DIM), dtype=jnp.float32,
        minval=-1.0 / NUM_EMBEDDINGS, maxval=1.0 / NUM_EMBEDDINGS)
    return {"weights": weights, "codebook": codebook}


def reference(weights, codebook):
    # Flatten leading dims: [..., D] -> [N, D]
    flat = weights.reshape(-1, EMBEDDING_DIM)
    # Squared L2 distances to every codebook entry: ||z||^2 - 2 z.e + ||e||^2
    z_sq = jnp.sum(flat * flat, axis=1, keepdims=True)              # [N, 1]
    e_sq = jnp.sum(codebook * codebook, axis=1)                     # [K]
    dots = flat @ codebook.T                                        # [N, K] (compute-heavy)
    dists = z_sq - 2.0 * dots + e_sq[None, :]                       # [N, K]
    indices = jnp.argmin(dists, axis=1)                             # [N]
    # Dequantize: gather codebook rows
    quantized = jnp.take(codebook, indices, axis=0).reshape(weights.shape)
    # VQ-VAE losses
    e_latent_loss = jnp.mean(jnp.square(jax.lax.stop_gradient(quantized) - weights))
    q_latent_loss = jnp.mean(jnp.square(quantized - jax.lax.stop_gradient(weights)))
    vq_loss = q_latent_loss + COMMITMENT_COST * e_latent_loss
    # Straight-through estimator
    quantized_st = weights + jax.lax.stop_gradient(quantized - weights)
    return quantized_st, vq_loss

if __name__ == "__main__":
    import jax
    _d = setup_inputs()
    print(jax.jit(kernel)(*tuple(_d.values())))

</pallas_src>

<mosaic_0001>
#map = affine_map<(d0, d1) -> (0, 0)>
#map1 = affine_map<(d0, d1) -> (0)>
module attributes {stable_mosaic.version = 14 : i64} {
  func.func @k(%arg0: i32, %arg1: i32, %arg2: memref<8192x256xf32, #tpu.memory_space<hbm>>, %arg3: memref<32768xi32, #tpu.memory_space<hbm>>, %arg4: memref<32768x256xf32, #tpu.memory_space<hbm>>, %arg5: memref<64xi32, #tpu.memory_space<vmem>>, %arg6: memref<64xi32, #tpu.memory_space<vmem>>, %arg7: memref<64xi32, #tpu.memory_space<vmem>>, %arg8: memref<64xi32, #tpu.memory_space<vmem>>, %arg9: memref<64x256xf32, #tpu.memory_space<vmem>>, %arg10: memref<64x256xf32, #tpu.memory_space<vmem>>, %arg11: memref<64x256xf32, #tpu.memory_space<vmem>>, %arg12: memref<64x256xf32, #tpu.memory_space<vmem>>, %arg13: memref<!tpu.dma_semaphore, #tpu.memory_space<semaphore_mem>>, %arg14: memref<!tpu.dma_semaphore, #tpu.memory_space<semaphore_mem>>, %arg15: memref<!tpu.dma_semaphore, #tpu.memory_space<semaphore_mem>>, %arg16: memref<!tpu.dma_semaphore, #tpu.memory_space<semaphore_mem>>) attributes {dimension_semantics = [#tpu.dimension_semantics<core_parallel>, #tpu.dimension_semantics<subcore_parallel>], iteration_bounds = array<i64: 2, 16>, scalar_prefetch = 0 : i64, scratch_operands = 12 : i64, tpu.core_type = #tpu.core_type<sc_vector_subcore>, window_params = [{transform_indices = #map}, {transform_indices = #map1}, {transform_indices = #map}]} {
    %mul3A = arith.constant 2 : i32
    %mul3A_0 = arith.muli %arg1, %mul3A : i32
    %add3A = arith.addi %mul3A_0, %arg0 : i32
    %mul3A_1 = arith.constant 1024 : i32
    %mul3A_2 = arith.muli %add3A, %mul3A_1 : i32
    %scan3A = arith.constant 0 : i32
    %scan3A_3 = arith.constant 4 : i32
    %scan3A_4 = arith.addi %scan3A, %scan3A_3 : i32
    %scan3A_5 = arith.constant 1 : i32
    scf.for %scan3A_7 = %scan3A to %scan3A_4 step %scan3A_5  : i32 {
      %mul3A_8 = arith.constant 256 : i32
      %mul3A_9 = arith.muli %scan3A_7, %mul3A_8 : i32
      %add3A_10 = arith.constant 0 : i32
      %add3A_11 = arith.addi %add3A_10, %mul3A_9 : i32
      %add3A_12 = arith.addi %mul3A_2, %add3A_11 : i32
      %add3A_13 = arith.constant 0 : i32
      %add3A_14 = arith.addi %add3A_12, %add3A_13 : i32
      "tpu.region"() ({
        %run_scoped3A = tpu.sem_alloc : memref<!tpu.dma_semaphore, #tpu.memory_space<semaphore_mem>>
        %dma_start3A_58 = tpu.memref_slice %arg3[%add3A_14] : memref<32768xi32, #tpu.memory_space<hbm>> -> memref<64xi32, #tpu.memory_space<hbm>>
        %dma_start3A_59 = tpu.memref_slice %arg3[%add3A_14] : memref<32768xi32, #tpu.memory_space<hbm>> -> memref<64xi32, #tpu.memory_space<hbm>>
        tpu.enqueue_dma source(%dma_start3A_59 : memref<64xi32, #tpu.memory_space<hbm>>) target(%arg5 : memref<64xi32, #tpu.memory_space<vmem>>) target_semaphore(%run_scoped3A : memref<!tpu.dma_semaphore, #tpu.memory_space<semaphore_mem>>)
        %dma_wait3A_60 = tpu.memref_slice %arg3[%add3A_14] : memref<32768xi32, #tpu.memory_space<hbm>> -> memref<64xi32, #tpu.memory_space<hbm>>
        %dma_wait3A_61 = tpu.memref_slice %arg3[%add3A_14] : memref<32768xi32, #tpu.memory_space<hbm>> -> memref<64xi32, #tpu.memory_space<hbm>>
        tpu.wait_dma2 semaphore(%run_scoped3A : memref<!tpu.dma_semaphore, #tpu.memory_space<semaphore_mem>>) src(%dma_wait3A_61 : memref<64xi32, #tpu.memory_space<hbm>>) dst(%arg5 : memref<64xi32, #tpu.memory_space<vmem>>)
        tpu.yield
      }) : () -> ()
      %dma_start3A = arith.constant 0 : i32
      %dma_start3A_15 = arith.constant 0 : i32
      %dma_start3A_16 = tpu.memref_slice %arg2[%dma_start3A, %dma_start3A_15] : memref<8192x256xf32, #tpu.memory_space<hbm>> -> memref<8192x256xf32, #tpu.memory_space<hbm>>
      tpu.enqueue_indirect_dma source(%dma_start3A_16 : memref<8192x256xf32, #tpu.memory_space<hbm>>) target(%arg9 : memref<64x256xf32, #tpu.memory_space<vmem>>) offsets(%arg5 : memref<64xi32, #tpu.memory_space<vmem>>) semaphore(%arg13 : memref<!tpu.dma_semaphore, #tpu.memory_space<semaphore_mem>>)
      %add3A_17 = arith.addi %mul3A_2, %add3A_11 : i32
      %add3A_18 = arith.constant 64 : i32
      %add3A_19 = arith.addi %add3A_17, %add3A_18 : i32
      "tpu.region"() ({
        %run_scoped3A = tpu.sem_alloc : memref<!tpu.dma_semaphore, #tpu.memory_space<semaphore_mem>>
        %dma_start3A_58 = tpu.memref_slice %arg3[%add3A_19] : memref<32768xi32, #tpu.memory_space<hbm>> -> memref<64xi32, #tpu.memory_space<hbm>>
        %dma_start3A_59 = tpu.memref_slice %arg3[%add3A_19] : memref<32768xi32, #tpu.memory_space<hbm>> -> memref<64xi32, #tpu.memory_space<hbm>>
        tpu.enqueue_dma source(%dma_start3A_59 : memref<64xi32, #tpu.memory_space<hbm>>) target(%arg6 : memref<64xi32, #tpu.memory_space<vmem>>) target_semaphore(%run_scoped3A : memref<!tpu.dma_semaphore, #tpu.memory_space<semaphore_mem>>)
        %dma_wait3A_60 = tpu.memref_slice %arg3[%add3A_19] : memref<32768xi32, #tpu.memory_space<hbm>> -> memref<64xi32, #tpu.memory_space<hbm>>
        %dma_wait3A_61 = tpu.memref_slice %arg3[%add3A_19] : memref<32768xi32, #tpu.memory_space<hbm>> -> memref<64xi32, #tpu.memory_space<hbm>>
        tpu.wait_dma2 semaphore(%run_scoped3A : memref<!tpu.dma_semaphore, #tpu.memory_space<semaphore_mem>>) src(%dma_wait3A_61 : memref<64xi32, #tpu.memory_space<hbm>>) dst(%arg6 : memref<64xi32, #tpu.memory_space<vmem>>)
        tpu.yield
      }) : () -> ()
      %dma_start3A_20 = arith.constant 0 : i32
      %dma_start3A_21 = arith.constant 0 : i32
      %dma_start3A_22 = tpu.memref_slice %arg2[%dma_start3A_20, %dma_start3A_21] : memref<8192x256xf32, #tpu.memory_space<hbm>> -> memref<8192x256xf32, #tpu.memory_space<hbm>>
      tpu.enqueue_indirect_dma source(%dma_start3A_22 : memref<8192x256xf32, #tpu.memory_space<hbm>>) target(%arg10 : memref<64x256xf32, #tpu.memory_space<vmem>>) offsets(%arg6 : memref<64xi32, #tpu.memory_space<vmem>>) semaphore(%arg14 : memref<!tpu.dma_semaphore, #tpu.memory_space<semaphore_mem>>)
      %add3A_23 = arith.addi %mul3A_2, %add3A_11 : i32
      %add3A_24 = arith.constant 128 : i32
      %add3A_25 = arith.addi %add3A_23, %add3A_24 : i32
      "tpu.region"() ({
        %run_scoped3A = tpu.sem_alloc : memref<!tpu.dma_semaphore, #tpu.memory_space<semaphore_mem>>
        %dma_start3A_58 = tpu.memref_slice %arg3[%add3A_25] : memref<32768xi32, #tpu.memory_space<hbm>> -> memref<64xi32, #tpu.memory_space<hbm>>
        %dma_start3A_59 = tpu.memref_slice %arg3[%add3A_25] : memref<32768xi32, #tpu.memory_space<hbm>> -> memref<64xi32, #tpu.memory_space<hbm>>
        tpu.enqueue_dma source(%dma_start3A_59 : memref<64xi32, #tpu.memory_space<hbm>>) target(%arg7 : memref<64xi32, #tpu.memory_space<vmem>>) target_semaphore(%run_scoped3A : memref<!tpu.dma_semaphore, #tpu.memory_space<semaphore_mem>>)
        %dma_wait3A_60 = tpu.memref_slice %arg3[%add3A_25] : memref<32768xi32, #tpu.memory_space<hbm>> -> memref<64xi32, #tpu.memory_space<hbm>>
        %dma_wait3A_61 = tpu.memref_slice %arg3[%add3A_25] : memref<32768xi32, #tpu.memory_space<hbm>> -> memref<64xi32, #tpu.memory_space<hbm>>
        tpu.wait_dma2 semaphore(%run_scoped3A : memref<!tpu.dma_semaphore, #tpu.memory_space<semaphore_mem>>) src(%dma_wait3A_61 : memref<64xi32, #tpu.memory_space<hbm>>) dst(%arg7 : memref<64xi32, #tpu.memory_space<vmem>>)
        tpu.yield
      }) : () -> ()
      %dma_start3A_26 = arith.constant 0 : i32
      %dma_start3A_27 = arith.constant 0 : i32
      %dma_start3A_28 = tpu.memref_slice %arg2[%dma_start3A_26, %dma_start3A_27] : memref<8192x256xf32, #tpu.memory_space<hbm>> -> memref<8192x256xf32, #tpu.memory_space<hbm>>
      tpu.enqueue_indirect_dma source(%dma_start3A_28 : memref<8192x256xf32, #tpu.memory_space<hbm>>) target(%arg11 : memref<64x256xf32, #tpu.memory_space<vmem>>) offsets(%arg7 : memref<64xi32, #tpu.memory_space<vmem>>) semaphore(%arg15 : memref<!tpu.dma_semaphore, #tpu.memory_space<semaphore_mem>>)
      %add3A_29 = arith.addi %mul3A_2, %add3A_11 : i32
      %add3A_30 = arith.constant 192 : i32
      %add3A_31 = arith.addi %add3A_29, %add3A_30 : i32
      "tpu.region"() ({
        %run_scoped3A = tpu.sem_alloc : memref<!tpu.dma_semaphore, #tpu.memory_space<semaphore_mem>>
        %dma_start3A_58 = tpu.memref_slice %arg3[%add3A_31] : memref<32768xi32, #tpu.memory_space<hbm>> -> memref<64xi32, #tpu.memory_space<hbm>>
        %dma_start3A_59 = tpu.memref_slice %arg3[%add3A_31] : memref<32768xi32, #tpu.memory_space<hbm>> -> memref<64xi32, #tpu.memory_space<hbm>>
        tpu.enqueue_dma source(%dma_start3A_59 : memref<64xi32, #tpu.memory_space<hbm>>) target(%arg8 : memref<64xi32, #tpu.memory_space<vmem>>) target_semaphore(%run_scoped3A : memref<!tpu.dma_semaphore, #tpu.memory_space<semaphore_mem>>)
        %dma_wait3A_60 = tpu.memref_slice %arg3[%add3A_31] : memref<32768xi32, #tpu.memory_space<hbm>> -> memref<64xi32, #tpu.memory_space<hbm>>
        %dma_wait3A_61 = tpu.memref_slice %arg3[%add3A_31] : memref<32768xi32, #tpu.memory_space<hbm>> -> memref<64xi32, #tpu.memory_space<hbm>>
        tpu.wait_dma2 semaphore(%run_scoped3A : memref<!tpu.dma_semaphore, #tpu.memory_space<semaphore_mem>>) src(%dma_wait3A_61 : memref<64xi32, #tpu.memory_space<hbm>>) dst(%arg8 : memref<64xi32, #tpu.memory_space<vmem>>)
        tpu.yield
      }) : () -> ()
      %dma_start3A_32 = arith.constant 0 : i32
      %dma_start3A_33 = arith.constant 0 : i32
      %dma_start3A_34 = tpu.memref_slice %arg2[%dma_start3A_32, %dma_start3A_33] : memref<8192x256xf32, #tpu.memory_space<hbm>> -> memref<8192x256xf32, #tpu.memory_space<hbm>>
      tpu.enqueue_indirect_dma source(%dma_start3A_34 : memref<8192x256xf32, #tpu.memory_space<hbm>>) target(%arg12 : memref<64x256xf32, #tpu.memory_space<vmem>>) offsets(%arg8 : memref<64xi32, #tpu.memory_space<vmem>>) semaphore(%arg16 : memref<!tpu.dma_semaphore, #tpu.memory_space<semaphore_mem>>)
      %add3A_35 = arith.addi %mul3A_2, %add3A_11 : i32
      %add3A_36 = arith.constant 0 : i32
      %add3A_37 = arith.addi %add3A_35, %add3A_36 : i32
      %dma_wait3A = arith.constant 0 : i32
      %dma_wait3A_38 = arith.constant 0 : i32
      %dma_wait3A_39 = tpu.memref_slice %arg2[%dma_wait3A, %dma_wait3A_38] : memref<8192x256xf32, #tpu.memory_space<hbm>> -> memref<8192x256xf32, #tpu.memory_space<hbm>>
      tpu.wait_indirect_dma semaphore(%arg13 : memref<!tpu.dma_semaphore, #tpu.memory_space<semaphore_mem>>) src(%dma_wait3A_39 : memref<8192x256xf32, #tpu.memory_space<hbm>>) dst(%arg9 : memref<64x256xf32, #tpu.memory_space<vmem>>)
      "tpu.region"() ({
        %run_scoped3A = tpu.sem_alloc : memref<!tpu.dma_semaphore, #tpu.memory_space<semaphore_mem>>
        %dma_start3A_58 = arith.constant 0 : i32
        %dma_start3A_59 = tpu.memref_slice %arg4[%add3A_37, %dma_start3A_58] : memref<32768x256xf32, #tpu.memory_space<hbm>> -> memref<64x256xf32, #tpu.memory_space<hbm>>
        %dma_start3A_60 = arith.constant 0 : i32
        %dma_start3A_61 = tpu.memref_slice %arg4[%add3A_37, %dma_start3A_60] : memref<32768x256xf32, #tpu.memory_space<hbm>> -> memref<64x256xf32, #tpu.memory_space<hbm>>
        tpu.enqueue_dma source(%arg9 : memref<64x256xf32, #tpu.memory_space<vmem>>) target(%dma_start3A_61 : memref<64x256xf32, #tpu.memory_space<hbm>>) target_semaphore(%run_scoped3A : memref<!tpu.dma_semaphore, #tpu.memory_space<semaphore_mem>>)
        %dma_wait3A_62 = arith.constant 0 : i32
        %dma_wait3A_63 = tpu.memref_slice %arg4[%add3A_37, %dma_wait3A_62] : memref<32768x256xf32, #tpu.memory_space<hbm>> -> memref<64x256xf32, #tpu.memory_space<hbm>>
        %dma_wait3A_64 = arith.constant 0 : i32
        %dma_wait3A_65 = tpu.memref_slice %arg4[%add3A_37, %dma_wait3A_64] : memref<32768x256xf32, #tpu.memory_space<hbm>> -> memref<64x256xf32, #tpu.memory_space<hbm>>
        tpu.wait_dma2 semaphore(%run_scoped3A : memref<!tpu.dma_semaphore, #tpu.memory_space<semaphore_mem>>) src(%arg9 : memref<64x256xf32, #tpu.memory_space<vmem>>) dst(%dma_wait3A_65 : memref<64x256xf32, #tpu.memory_space<hbm>>)
        tpu.yield
      }) : () -> ()
      %add3A_40 = arith.addi %mul3A_2, %add3A_11 : i32
      %add3A_41 = arith.constant 64 : i32
      %add3A_42 = arith.addi %add3A_40, %add3A_41 : i32
      %dma_wait3A_43 = arith.constant 0 : i32
      %dma_wait3A_44 = arith.constant 0 : i32
      %dma_wait3A_45 = tpu.memref_slice %arg2[%dma_wait3A_43, %dma_wait3A_44] : memref<8192x256xf32, #tpu.memory_space<hbm>> -> memref<8192x256xf32, #tpu.memory_space<hbm>>
      tpu.wait_indirect_dma semaphore(%arg14 : memref<!tpu.dma_semaphore, #tpu.memory_space<semaphore_mem>>) src(%dma_wait3A_45 : memref<8192x256xf32, #tpu.memory_space<hbm>>) dst(%arg10 : memref<64x256xf32, #tpu.memory_space<vmem>>)
      "tpu.region"() ({
        %run_scoped3A = tpu.sem_alloc : memref<!tpu.dma_semaphore, #tpu.memory_space<semaphore_mem>>
        %dma_start3A_58 = arith.constant 0 : i32
        %dma_start3A_59 = tpu.memref_slice %arg4[%add3A_42, %dma_start3A_58] : memref<32768x256xf32, #tpu.memory_space<hbm>> -> memref<64x256xf32, #tpu.memory_space<hbm>>
        %dma_start3A_60 = arith.constant 0 : i32
        %dma_start3A_61 = tpu.memref_slice %arg4[%add3A_42, %dma_start3A_60] : memref<32768x256xf32, #tpu.memory_space<hbm>> -> memref<64x256xf32, #tpu.memory_space<hbm>>
        tpu.enqueue_dma source(%arg10 : memref<64x256xf32, #tpu.memory_space<vmem>>) target(%dma_start3A_61 : memref<64x256xf32, #tpu.memory_space<hbm>>) target_semaphore(%run_scoped3A : memref<!tpu.dma_semaphore, #tpu.memory_space<semaphore_mem>>)
        %dma_wait3A_62 = arith.constant 0 : i32
        %dma_wait3A_63 = tpu.memref_slice %arg4[%add3A_42, %dma_wait3A_62] : memref<32768x256xf32, #tpu.memory_space<hbm>> -> memref<64x256xf32, #tpu.memory_space<hbm>>
        %dma_wait3A_64 = arith.constant 0 : i32
        %dma_wait3A_65 = tpu.memref_slice %arg4[%add3A_42, %dma_wait3A_64] : memref<32768x256xf32, #tpu.memory_space<hbm>> -> memref<64x256xf32, #tpu.memory_space<hbm>>
        tpu.wait_dma2 semaphore(%run_scoped3A : memref<!tpu.dma_semaphore, #tpu.memory_space<semaphore_mem>>) src(%arg10 : memref<64x256xf32, #tpu.memory_space<vmem>>) dst(%dma_wait3A_65 : memref<64x256xf32, #tpu.memory_space<hbm>>)
        tpu.yield
      }) : () -> ()
      %add3A_46 = arith.addi %mul3A_2, %add3A_11 : i32
      %add3A_47 = arith.constant 128 : i32
      %add3A_48 = arith.addi %add3A_46, %add3A_47 : i32
      %dma_wait3A_49 = arith.constant 0 : i32
      %dma_wait3A_50 = arith.constant 0 : i32
      %dma_wait3A_51 = tpu.memref_slice %arg2[%dma_wait3A_49, %dma_wait3A_50] : memref<8192x256xf32, #tpu.memory_space<hbm>> -> memref<8192x256xf32, #tpu.memory_space<hbm>>
      tpu.wait_indirect_dma semaphore(%arg15 : memref<!tpu.dma_semaphore, #tpu.memory_space<semaphore_mem>>) src(%dma_wait3A_51 : memref<8192x256xf32, #tpu.memory_space<hbm>>) dst(%arg11 : memref<64x256xf32, #tpu.memory_space<vmem>>)
      "tpu.region"() ({
        %run_scoped3A = tpu.sem_alloc : memref<!tpu.dma_semaphore, #tpu.memory_space<semaphore_mem>>
        %dma_start3A_58 = arith.constant 0 : i32
        %dma_start3A_59 = tpu.memref_slice %arg4[%add3A_48, %dma_start3A_58] : memref<32768x256xf32, #tpu.memory_space<hbm>> -> memref<64x256xf32, #tpu.memory_space<hbm>>
        %dma_start3A_60 = arith.constant 0 : i32
        %dma_start3A_61 = tpu.memref_slice %arg4[%add3A_48, %dma_start3A_60] : memref<32768x256xf32, #tpu.memory_space<hbm>> -> memref<64x256xf32, #tpu.memory_space<hbm>>
        tpu.enqueue_dma source(%arg11 : memref<64x256xf32, #tpu.memory_space<vmem>>) target(%dma_start3A_61 : memref<64x256xf32, #tpu.memory_space<hbm>>) target_semaphore(%run_scoped3A : memref<!tpu.dma_semaphore, #tpu.memory_space<semaphore_mem>>)
        %dma_wait3A_62 = arith.constant 0 : i32
        %dma_wait3A_63 = tpu.memref_slice %arg4[%add3A_48, %dma_wait3A_62] : memref<32768x256xf32, #tpu.memory_space<hbm>> -> memref<64x256xf32, #tpu.memory_space<hbm>>
        %dma_wait3A_64 = arith.constant 0 : i32
        %dma_wait3A_65 = tpu.memref_slice %arg4[%add3A_48, %dma_wait3A_64] : memref<32768x256xf32, #tpu.memory_space<hbm>> -> memref<64x256xf32, #tpu.memory_space<hbm>>
        tpu.wait_dma2 semaphore(%run_scoped3A : memref<!tpu.dma_semaphore, #tpu.memory_space<semaphore_mem>>) src(%arg11 : memref<64x256xf32, #tpu.memory_space<vmem>>) dst(%dma_wait3A_65 : memref<64x256xf32, #tpu.memory_space<hbm>>)
        tpu.yield
      }) : () -> ()
      %add3A_52 = arith.addi %mul3A_2, %add3A_11 : i32
      %add3A_53 = arith.constant 192 : i32
      %add3A_54 = arith.addi %add3A_52, %add3A_53 : i32
      %dma_wait3A_55 = arith.constant 0 : i32
      %dma_wait3A_56 = arith.constant 0 : i32
      %dma_wait3A_57 = tpu.memref_slice %arg2[%dma_wait3A_55, %dma_wait3A_56] : memref<8192x256xf32, #tpu.memory_space<hbm>> -> memref<8192x256xf32, #tpu.memory_space<hbm>>
      tpu.wait_indirect_dma semaphore(%arg16 : memref<!tpu.dma_semaphore, #tpu.memory_space<semaphore_mem>>) src(%dma_wait3A_57 : memref<8192x256xf32, #tpu.memory_space<hbm>>) dst(%arg12 : memref<64x256xf32, #tpu.memory_space<vmem>>)
      "tpu.region"() ({
        %run_scoped3A = tpu.sem_alloc : memref<!tpu.dma_semaphore, #tpu.memory_space<semaphore_mem>>
        %dma_start3A_58 = arith.constant 0 : i32
        %dma_start3A_59 = tpu.memref_slice %arg4[%add3A_54, %dma_start3A_58] : memref<32768x256xf32, #tpu.memory_space<hbm>> -> memref<64x256xf32, #tpu.memory_space<hbm>>
        %dma_start3A_60 = arith.constant 0 : i32
        %dma_start3A_61 = tpu.memref_slice %arg4[%add3A_54, %dma_start3A_60] : memref<32768x256xf32, #tpu.memory_space<hbm>> -> memref<64x256xf32, #tpu.memory_space<hbm>>
        tpu.enqueue_dma source(%arg12 : memref<64x256xf32, #tpu.memory_space<vmem>>) target(%dma_start3A_61 : memref<64x256xf32, #tpu.memory_space<hbm>>) target_semaphore(%run_scoped3A : memref<!tpu.dma_semaphore, #tpu.memory_space<semaphore_mem>>)
        %dma_wait3A_62 = arith.constant 0 : i32
        %dma_wait3A_63 = tpu.memref_slice %arg4[%add3A_54, %dma_wait3A_62] : memref<32768x256xf32, #tpu.memory_space<hbm>> -> memref<64x256xf32, #tpu.memory_space<hbm>>
        %dma_wait3A_64 = arith.constant 0 : i32
        %dma_wait3A_65 = tpu.memref_slice %arg4[%add3A_54, %dma_wait3A_64] : memref<32768x256xf32, #tpu.memory_space<hbm>> -> memref<64x256xf32, #tpu.memory_space<hbm>>
        tpu.wait_dma2 semaphore(%run_scoped3A : memref<!tpu.dma_semaphore, #tpu.memory_space<semaphore_mem>>) src(%arg12 : memref<64x256xf32, #tpu.memory_space<vmem>>) dst(%dma_wait3A_65 : memref<64x256xf32, #tpu.memory_space<hbm>>)
        tpu.yield
      }) : () -> ()
    }
    %scan3A_6 = arith.constant 4 : i32
    return
  }
}

module attributes {stable_mosaic.version = 14 : i64} {
  func.func @_dist_argmin_body(%arg0: i32, %arg1: memref<2048x256xf32, #tpu.memory_space<vmem>>, %arg2: memref<8192x256xf32, #tpu.memory_space<vmem>>, %arg3: memref<1x8192xf32, #tpu.memory_space<vmem>>, %arg4: memref<1x8192xf32, #tpu.memory_space<vmem>>, %arg5: memref<2048x1xi32, #tpu.memory_space<vmem>>, %arg6: memref<1x1xf32, #tpu.memory_space<vmem>>, %arg7: memref<1x1xf32, #tpu.memory_space<vmem>>) attributes {dimension_semantics = [#tpu.dimension_semantics<arbitrary>], iteration_bounds = array<i64: 16>, scalar_prefetch = 0 : i64, scratch_operands = 1 : i64, tpu.core_type = #tpu.core_type<tc>, window_params = [{transform_indices = @transform_0, window_bounds = array<i64: 2048, 256>}, {pipeline_mode = #tpu.pipeline_mode<synchronous>, transform_indices = @transform_1, window_bounds = array<i64: 8192, 256>}, {pipeline_mode = #tpu.pipeline_mode<synchronous>, transform_indices = @transform_2, window_bounds = array<i64: 1, 8192>}, {pipeline_mode = #tpu.pipeline_mode<synchronous>, transform_indices = @transform_3, window_bounds = array<i64: 1, 8192>}, {transform_indices = @transform_4, window_bounds = array<i64: 2048, 1>}, {pipeline_mode = #tpu.pipeline_mode<synchronous>, transform_indices = @transform_5, window_bounds = array<i64: 1, 1>}]} {
    %get3A = arith.constant 0 : index
    %get3A_0 = arith.constant 0 : index
    %get3A_1 = vector.load %arg2[%get3A, %get3A_0] : memref<8192x256xf32, #tpu.memory_space<vmem>>, vector<8192x256xf32>
    %get3A_2 = arith.constant 0 : index
    %get3A_3 = arith.constant 0 : index
    %get3A_4 = vector.load %arg3[%get3A_2, %get3A_3] : memref<1x8192xf32, #tpu.memory_space<vmem>>, vector<1x8192xf32>
    %get3A_5 = arith.constant 0 : index
    %get3A_6 = arith.constant 0 : index
    %get3A_7 = vector.load %arg4[%get3A_5, %get3A_6] : memref<1x8192xf32, #tpu.memory_space<vmem>>, vector<1x8192xf32>
    %eq3A = arith.constant 0 : i32
    %eq3A_8 = arith.cmpi eq, %arg0, %eq3A : i32
    %convert_element_type3A = arith.extui %eq3A_8 : i1 to i32
    %cond3A = arith.constant 0 : i32
    %cond3A_9 = arith.cmpi ne, %convert_element_type3A, %cond3A : i32
    scf.if %cond3A_9 {
      %broadcast_in_dim3A_189 = arith.constant 0.000000e+00 : f32
      %broadcast_in_dim3A_190 = vector.broadcast %broadcast_in_dim3A_189 : f32 to vector<1x1xf32>
      %swap3A_191 = arith.constant 0 : index
      %swap3A_192 = arith.constant 0 : index
      %swap3A_193 = vector.load %arg7[%swap3A_191, %swap3A_192] : memref<1x1xf32, #tpu.memory_space<vmem>>, vector<1x1xf32>
      tpu.vector_store %arg7[%swap3A_191, %swap3A_192], %broadcast_in_dim3A_190 {strides = array<i32>} : memref<1x1xf32, #tpu.memory_space<vmem>>, vector<1x1xf32>,
    } else {
    }
    %get3A_10 = arith.constant 0 : index
    %get3A_11 = arith.constant 0 : index
    %get3A_12 = vector.load %arg1[%get3A_10, %get3A_11] : memref<2048x256xf32, #tpu.memory_space<vmem>>, vector<512x256xf32>
    %mul3A = arith.mulf %get3A_12, %get3A_12 : vector<512x256xf32>
    %reduce_sum3A = arith.constant dense<0.000000e+00> : vector<512xf32>
    %reduce_sum3A_13 = vector.multi_reduction <add>, %mul3A, %reduce_sum3A [1] : vector<512x256xf32> to vector<512xf32>
    %broadcast_in_dim3A = vector.shape_cast %reduce_sum3A_13 : vector<512xf32> to vector<512x1xf32>
    %mul3A_14 = arith.constant -2.000000e+00 : f32
    %mul3A_15 = vector.broadcast %mul3A_14 : f32 to vector<512x256xf32>
    %mul3A_16 = arith.mulf %get3A_12, %mul3A_15 : vector<512x256xf32>
    %dot_general3A = arith.constant dense<0.000000e+00> : vector<512x8192xf32>
    %dot_general3A_17 = tpu.matmul %mul3A_16, %get3A_1, %dot_general3A {dimension_numbers = #tpu.dot_dimension_numbers<[1], [1], [0], [0], [0, 0, 1, 0], [], []>, transpose_lhs_hint = false} : vector<512x256xf32>, vector<8192x256xf32>, vector<512x8192xf32> -> vector<512x8192xf32>
    %add3A = vector.broadcast %broadcast_in_dim3A : vector<512x1xf32> to vector<512x8192xf32>
    %add3A_18 = arith.addf %dot_general3A_17, %add3A : vector<512x8192xf32>
    %add3A_19 = vector.broadcast %get3A_4 : vector<1x8192xf32> to vector<512x8192xf32>
    %add3A_20 = arith.addf %add3A_18, %add3A_19 : vector<512x8192xf32>
    %reduce_min3A = arith.constant dense<0x7F800000> : vector<512xf32>
    %reduce_min3A_21 = vector.multi_reduction <minimumf>, %add3A_20, %reduce_min3A [1] : vector<512x8192xf32> to vector<512xf32>
    %broadcast_in_dim3A_22 = vector.shape_cast %reduce_min3A_21 : vector<512xf32> to vector<512x1xf32>
    %eq3A_23 = vector.broadcast %broadcast_in_dim3A_22 : vector<512x1xf32> to vector<512x8192xf32>
    %eq3A_24 = arith.cmpf oeq, %add3A_20, %eq3A_23 : vector<512x8192xf32>
    %jit3A = arith.constant 8.192000e+03 : f32
    %broadcast_in_dim3A_25 = vector.shape_cast %get3A_7 : vector<1x8192xf32> to vector<1x8192xf32>
    %broadcast_in_dim3A_26 = vector.broadcast %broadcast_in_dim3A_25 : vector<1x8192xf32> to vector<512x8192xf32>
    %broadcast_in_dim3A_27 = vector.broadcast %jit3A : f32 to vector<512x8192xf32>
    %select_n3A = arith.select %eq3A_24, %broadcast_in_dim3A_26, %broadcast_in_dim3A_27 : vector<512x8192xi1>, vector<512x8192xf32>
    %reduce_min3A_28 = arith.constant dense<0x7F800000> : vector<512xf32>
    %reduce_min3A_29 = vector.multi_reduction <minimumf>, %select_n3A, %reduce_min3A_28 [1] : vector<512x8192xf32> to vector<512xf32>
    %broadcast_in_dim3A_30 = vector.shape_cast %reduce_min3A_29 : vector<512xf32> to vector<512x1xf32>
    %convert_element_type3A_31 = arith.fptosi %broadcast_in_dim3A_30 : vector<512x1xf32> to vector<512x1xi32>
    %swap3A = arith.constant 0 : index
    %swap3A_32 = arith.constant 0 : index
    %swap3A_33 = vector.load %arg5[%swap3A, %swap3A_32] : memref<2048x1xi32, #tpu.memory_space<vmem>>, vector<512x1xi32>
    tpu.vector_store %arg5[%swap3A, %swap3A_32], %convert_element_type3A_31 {strides = array<i32>} : memref<2048x1xi32, #tpu.memory_space<vmem>>, vector<512x1xi32>,
    %get3A_34 = arith.constant 0 : index
    %get3A_35 = arith.constant 0 : index
    %get3A_36 = vector.load %arg7[%get3A_34, %get3A_35] : memref<1x1xf32, #tpu.memory_space<vmem>>, vector<1x1xf32>
    %reduce_sum3A_37 = vector.shape_cast %broadcast_in_dim3A_22 : vector<512x1xf32> to vector<1x512x1xf32>
    %reduce_sum3A_38 = arith.constant dense<0.000000e+00> : vector<1xf32>
    %reduce_sum3A_39 = vector.multi_reduction <add>, %reduce_sum3A_37, %reduce_sum3A_38 [1, 2] : vector<1x512x1xf32> to vector<1xf32>
    %reduce_sum3A_40 = vector.shape_cast %reduce_sum3A_39 : vector<1xf32> to vector<1x1x1xf32>
    %reduce_sum3A_41 = vector.extract %reduce_sum3A_40[0, 0, 0] : f32 from vector<1x1x1xf32>
    %reshape3A = vector.broadcast %reduce_sum3A_41 : f32 to vector<1x1xf32>
    %add3A_42 = arith.addf %get3A_36, %reshape3A : vector<1x1xf32>
    %swap3A_43 = arith.constant 0 : index
    %swap3A_44 = arith.constant 0 : index
    %swap3A_45 = vector.load %arg7[%swap3A_43, %swap3A_44] : memref<1x1xf32, #tpu.memory_space<vmem>>, vector<1x1xf32>
    tpu.vector_store %arg7[%swap3A_43, %swap3A_44], %add3A_42 {strides = array<i32>} : memref<1x1xf32, #tpu.memory_space<vmem>>, vector<1x1xf32>,
    %get3A_46 = arith.constant 512 : index
    %get3A_47 = arith.constant 0 : index
    %get3A_48 = vector.load %arg1[%get3A_46, %get3A_47] : memref<2048x256xf32, #tpu.memory_space<vmem>>, vector<512x256xf32>
    %mul3A_49 = arith.mulf %get3A_48, %get3A_48 : vector<512x256xf32>
    %reduce_sum3A_50 = arith.constant dense<0.000000e+00> : vector<512xf32>
    %reduce_sum3A_51 = vector.multi_reduction <add>, %mul3A_49, %reduce_sum3A_50 [1] : vector<512x256xf32> to vector<512xf32>
    %broadcast_in_dim3A_52 = vector.shape_cast %reduce_sum3A_51 : vector<512xf32> to vector<512x1xf32>
    %mul3A_53 = arith.constant -2.000000e+00 : f32
    %mul3A_54 = vector.broadcast %mul3A_53 : f32 to vector<512x256xf32>
    %mul3A_55 = arith.mulf %get3A_48, %mul3A_54 : vector<512x256xf32>
    %dot_general3A_56 = arith.constant dense<0.000000e+00> : vector<512x8192xf32>
    %dot_general3A_57 = tpu.matmul %mul3A_55, %get3A_1, %dot_general3A_56 {dimension_numbers = #tpu.dot_dimension_numbers<[1], [1], [0], [0], [0, 0, 1, 0], [], []>, transpose_lhs_hint = false} : vector<512x256xf32>, vector<8192x256xf32>, vector<512x8192xf32> -> vector<512x8192xf32>
    %add3A_58 = vector.broadcast %broadcast_in_dim3A_52 : vector<512x1xf32> to vector<512x8192xf32>
    %add3A_59 = arith.addf %dot_general3A_57, %add3A_58 : vector<512x8192xf32>
    %add3A_60 = vector.broadcast %get3A_4 : vector<1x8192xf32> to vector<512x8192xf32>
    %add3A_61 = arith.addf %add3A_59, %add3A_60 : vector<512x8192xf32>
    %reduce_min3A_62 = arith.constant dense<0x7F800000> : vector<512xf32>
    %reduce_min3A_63 = vector.multi_reduction <minimumf>, %add3A_61, %reduce_min3A_62 [1] : vector<512x8192xf32> to vector<512xf32>
    %broadcast_in_dim3A_64 = vector.shape_cast %reduce_min3A_63 : vector<512xf32> to vector<512x1xf32>
    %eq3A_65 = vector.broadcast %broadcast_in_dim3A_64 : vector<512x1xf32> to vector<512x8192xf32>
    %eq3A_66 = arith.cmpf oeq, %add3A_61, %eq3A_65 : vector<512x8192xf32>
    %jit3A_67 = arith.constant 8.192000e+03 : f32
    %broadcast_in_dim3A_68 = vector.shape_cast %get3A_7 : vector<1x8192xf32> to vector<1x8192xf32>
    %broadcast_in_dim3A_69 = vector.broadcast %broadcast_in_dim3A_68 : vector<1x8192xf32> to vector<512x8192xf32>
    %broadcast_in_dim3A_70 = vector.broadcast %jit3A_67 : f32 to vector<512x8192xf32>
    %select_n3A_71 = arith.select %eq3A_66, %broadcast_in_dim3A_69, %broadcast_in_dim3A_70 : vector<512x8192xi1>, vector<512x8192xf32>
    %reduce_min3A_72 = arith.constant dense<0x7F800000> : vector<512xf32>
    %reduce_min3A_73 = vector.multi_reduction <minimumf>, %select_n3A_71, %reduce_min3A_72 [1] : vector<512x8192xf32> to vector<512xf32>
    %broadcast_in_dim3A_74 = vector.shape_cast %reduce_min3A_73 : vector<512xf32> to vector<512x1xf32>
    %convert_element_type3A_75 = arith.fptosi %broadcast_in_dim3A_74 : vector<512x1xf32> to vector<512x1xi32>
    %swap3A_76 = arith.constant 512 : index
    %swap3A_77 = arith.constant 0 : index
    %swap3A_78 = vector.load %arg5[%swap3A_76, %swap3A_77] : memref<2048x1xi32, #tpu.memory_space<vmem>>, vector<512x1xi32>
    tpu.vector_store %arg5[%swap3A_76, %swap3A_77], %convert_element_type3A_75 {strides = array<i32>} : memref<2048x1xi32, #tpu.memory_space<vmem>>, vector<512x1xi32>,
    %get3A_79 = arith.constant 0 : index
    %get3A_80 = arith.constant 0 : index
    %get3A_81 = vector.load %arg7[%get3A_79, %get3A_80] : memref<1x1xf32, #tpu.memory_space<vmem>>, vector<1x1xf32>
    %reduce_sum3A_82 = vector.shape_cast %broadcast_in_dim3A_64 : vector<512x1xf32> to vector<1x512x1xf32>
    %reduce_sum3A_83 = arith.constant dense<0.000000e+00> : vector<1xf32>
    %reduce_sum3A_84 = vector.multi_reduction <add>, %reduce_sum3A_82, %reduce_sum3A_83 [1, 2] : vector<1x512x1xf32> to vector<1xf32>
    %reduce_sum3A_85 = vector.shape_cast %reduce_sum3A_84 : vector<1xf32> to vector<1x1x1xf32>
    %reduce_sum3A_86 = vector.extract %reduce_sum3A_85[0, 0, 0] : f32 from vector<1x1x1xf32>
    %reshape3A_87 = vector.broadcast %reduce_sum3A_86 : f32 to vector<1x1xf32>
    %add3A_88 = arith.addf %get3A_81, %reshape3A_87 : vector<1x1xf32>
    %swap3A_89 = arith.constant 0 : index
    %swap3A_90 = arith.constant 0 : index
    %swap3A_91 = vector.load %arg7[%swap3A_89, %swap3A_90] : memref<1x1xf32, #tpu.memory_space<vmem>>, vector<1x1xf32>
    tpu.vector_store %arg7[%swap3A_89, %swap3A_90], %add3A_88 {strides = array<i32>} : memref<1x1xf32, #tpu.memory_space<vmem>>, vector<1x1xf32>,
    %get3A_92 = arith.constant 1024 : index
    %get3A_93 = arith.constant 0 : index
    %get3A_94 = vector.load %arg1[%get3A_92, %get3A_93] : memref<2048x256xf32, #tpu.memory_space<vmem>>, vector<512x256xf32>
    %mul3A_95 = arith.mulf %get3A_94, %get3A_94 : vector<512x256xf32>
    %reduce_sum3A_96 = arith.constant dense<0.000000e+00> : vector<512xf32>
    %reduce_sum3A_97 = vector.multi_reduction <add>, %mul3A_95, %reduce_sum3A_96 [1] : vector<512x256xf32> to vector<512xf32>
    %broadcast_in_dim3A_98 = vector.shape_cast %reduce_sum3A_97 : vector<512xf32> to vector<512x1xf32>
    %mul3A_99 = arith.constant -2.000000e+00 : f32
    %mul3A_100 = vector.broadcast %mul3A_99 : f32 to vector<512x256xf32>
    %mul3A_101 = arith.mulf %get3A_94, %mul3A_100 : vector<512x256xf32>
    %dot_general3A_102 = arith.constant dense<0.000000e+00> : vector<512x8192xf32>
    %dot_general3A_103 = tpu.matmul %mul3A_101, %get3A_1, %dot_general3A_102 {dimension_numbers = #tpu.dot_dimension_numbers<[1], [1], [0], [0], [0, 0, 1, 0], [], []>, transpose_lhs_hint = false} : vector<512x256xf32>, vector<8192x256xf32>, vector<512x8192xf32> -> vector<512x8192xf32>
    %add3A_104 = vector.broadcast %broadcast_in_dim3A_98 : vector<512x1xf32> to vector<512x8192xf32>
    %add3A_105 = arith.addf %dot_general3A_103, %add3A_104 : vector<512x8192xf32>
    %add3A_106 = vector.broadcast %get3A_4 : vector<1x8192xf32> to vector<512x8192xf32>
    %add3A_107 = arith.addf %add3A_105, %add3A_106 : vector<512x8192xf32>
    %reduce_min3A_108 = arith.constant dense<0x7F800000> : vector<512xf32>
    %reduce_min3A_109 = vector.multi_reduction <minimumf>, %add3A_107, %reduce_min3A_108 [1] : vector<512x8192xf32> to vector<512xf32>
    %broadcast_in_dim3A_110 = vector.shape_cast %reduce_min3A_109 : vector<512xf32> to vector<512x1xf32>
    %eq3A_111 = vector.broadcast %broadcast_in_dim3A_110 : vector<512x1xf32> to vector<512x8192xf32>
    %eq3A_112 = arith.cmpf oeq, %add3A_107, %eq3A_111 : vector<512x8192xf32>
    %jit3A_113 = arith.constant 8.192000e+03 : f32
    %broadcast_in_dim3A_114 = vector.shape_cast %get3A_7 : vector<1x8192xf32> to vector<1x8192xf32>
    %broadcast_in_dim3A_115 = vector.broadcast %broadcast_in_dim3A_114 : vector<1x8192xf32> to vector<512x8192xf32>
    %broadcast_in_dim3A_116 = vector.broadcast %jit3A_113 : f32 to vector<512x8192xf32>
    %select_n3A_117 = arith.select %eq3A_112, %broadcast_in_dim3A_115, %broadcast_in_dim3A_116 : vector<512x8192xi1>, vector<512x8192xf32>
    %reduce_min3A_118 = arith.constant dense<0x7F800000> : vector<512xf32>
    %reduce_min3A_119 = vector.multi_reduction <minimumf>, %select_n3A_117, %reduce_min3A_118 [1] : vector<512x8192xf32> to vector<512xf32>
    %broadcast_in_dim3A_120 = vector.shape_cast %reduce_min3A_119 : vector<512xf32> to vector<512x1xf32>
    %convert_element_type3A_121 = arith.fptosi %broadcast_in_dim3A_120 : vector<512x1xf32> to vector<512x1xi32>
    %swap3A_122 = arith.constant 1024 : index
    %swap3A_123 = arith.constant 0 : index
    %swap3A_124 = vector.load %arg5[%swap3A_122, %swap3A_123] : memref<2048x1xi32, #tpu.memory_space<vmem>>, vector<512x1xi32>
    tpu.vector_store %arg5[%swap3A_122, %swap3A_123], %convert_element_type3A_121 {strides = array<i32>} : memref<2048x1xi32, #tpu.memory_space<vmem>>, vector<512x1xi32>,
    %get3A_125 = arith.constant 0 : index
    %get3A_126 = arith.constant 0 : index
    %get3A_127 = vector.load %arg7[%get3A_125, %get3A_126] : memref<1x1xf32, #tpu.memory_space<vmem>>, vector<1x1xf32>
    %reduce_sum3A_128 = vector.shape_cast %broadcast_in_dim3A_110 : vector<512x1xf32> to vector<1x512x1xf32>
    %reduce_sum3A_129 = arith.constant dense<0.000000e+00> : vector<1xf32>
    %reduce_sum3A_130 = vector.multi_reduction <add>, %reduce_sum3A_128, %reduce_sum3A_129 [1, 2] : vector<1x512x1xf32> to vector<1xf32>
    %reduce_sum3A_131 = vector.shape_cast %reduce_sum3A_130 : vector<1xf32> to vector<1x1x1xf32>
    %reduce_sum3A_132 = vector.extract %reduce_sum3A_131[0, 0, 0] : f32 from vector<1x1x1xf32>
    %reshape3A_133 = vector.broadcast %reduce_sum3A_132 : f32 to vector<1x1xf32>
    %add3A_134 = arith.addf %get3A_127, %reshape3A_133 : vector<1x1xf32>
    %swap3A_135 = arith.constant 0 : index
    %swap3A_136 = arith.constant 0 : index
    %swap3A_137 = vector.load %arg7[%swap3A_135, %swap3A_136] : memref<1x1xf32, #tpu.memory_space<vmem>>, vector<1x1xf32>
    tpu.vector_store %arg7[%swap3A_135, %swap3A_136], %add3A_134 {strides = array<i32>} : memref<1x1xf32, #tpu.memory_space<vmem>>, vector<1x1xf32>,
    %get3A_138 = arith.constant 1536 : index
    %get3A_139 = arith.constant 0 : index
    %get3A_140 = vector.load %arg1[%get3A_138, %get3A_139] : memref<2048x256xf32, #tpu.memory_space<vmem>>, vector<512x256xf32>
    %mul3A_141 = arith.mulf %get3A_140, %get3A_140 : vector<512x256xf32>
    %reduce_sum3A_142 = arith.constant dense<0.000000e+00> : vector<512xf32>
    %reduce_sum3A_143 = vector.multi_reduction <add>, %mul3A_141, %reduce_sum3A_142 [1] : vector<512x256xf32> to vector<512xf32>
    %broadcast_in_dim3A_144 = vector.shape_cast %reduce_sum3A_143 : vector<512xf32> to vector<512x1xf32>
    %mul3A_145 = arith.constant -2.000000e+00 : f32
    %mul3A_146 = vector.broadcast %mul3A_145 : f32 to vector<512x256xf32>
    %mul3A_147 = arith.mulf %get3A_140, %mul3A_146 : vector<512x256xf32>
    %dot_general3A_148 = arith.constant dense<0.000000e+00> : vector<512x8192xf32>
    %dot_general3A_149 = tpu.matmul %mul3A_147, %get3A_1, %dot_general3A_148 {dimension_numbers = #tpu.dot_dimension_numbers<[1], [1], [0], [0], [0, 0, 1, 0], [], []>, transpose_lhs_hint = false} : vector<512x256xf32>, vector<8192x256xf32>, vector<512x8192xf32> -> vector<512x8192xf32>
    %add3A_150 = vector.broadcast %broadcast_in_dim3A_144 : vector<512x1xf32> to vector<512x8192xf32>
    %add3A_151 = arith.addf %dot_general3A_149, %add3A_150 : vector<512x8192xf32>
    %add3A_152 = vector.broadcast %get3A_4 : vector<1x8192xf32> to vector<512x8192xf32>
    %add3A_153 = arith.addf %add3A_151, %add3A_152 : vector<512x8192xf32>
    %reduce_min3A_154 = arith.constant dense<0x7F800000> : vector<512xf32>
    %reduce_min3A_155 = vector.multi_reduction <minimumf>, %add3A_153, %reduce_min3A_154 [1] : vector<512x8192xf32> to vector<512xf32>
    %broadcast_in_dim3A_156 = vector.shape_cast %reduce_min3A_155 : vector<512xf32> to vector<512x1xf32>
    %eq3A_157 = vector.broadcast %broadcast_in_dim3A_156 : vector<512x1xf32> to vector<512x8192xf32>
    %eq3A_158 = arith.cmpf oeq, %add3A_153, %eq3A_157 : vector<512x8192xf32>
    %jit3A_159 = arith.constant 8.192000e+03 : f32
    %broadcast_in_dim3A_160 = vector.shape_cast %get3A_7 : vector<1x8192xf32> to vector<1x8192xf32>
    %broadcast_in_dim3A_161 = vector.broadcast %broadcast_in_dim3A_160 : vector<1x8192xf32> to vector<512x8192xf32>
    %broadcast_in_dim3A_162 = vector.broadcast %jit3A_159 : f32 to vector<512x8192xf32>
    %select_n3A_163 = arith.select %eq3A_158, %broadcast_in_dim3A_161, %broadcast_in_dim3A_162 : vector<512x8192xi1>, vector<512x8192xf32>
    %reduce_min3A_164 = arith.constant dense<0x7F800000> : vector<512xf32>
    %reduce_min3A_165 = vector.multi_reduction <minimumf>, %select_n3A_163, %reduce_min3A_164 [1] : vector<512x8192xf32> to vector<512xf32>
    %broadcast_in_dim3A_166 = vector.shape_cast %reduce_min3A_165 : vector<512xf32> to vector<512x1xf32>
    %convert_element_type3A_167 = arith.fptosi %broadcast_in_dim3A_166 : vector<512x1xf32> to vector<512x1xi32>
    %swap3A_168 = arith.constant 1536 : index
    %swap3A_169 = arith.constant 0 : index
    %swap3A_170 = vector.load %arg5[%swap3A_168, %swap3A_169] : memref<2048x1xi32, #tpu.memory_space<vmem>>, vector<512x1xi32>
    tpu.vector_store %arg5[%swap3A_168, %swap3A_169], %convert_element_type3A_167 {strides = array<i32>} : memref<2048x1xi32, #tpu.memory_space<vmem>>, vector<512x1xi32>,
    %get3A_171 = arith.constant 0 : index
    %get3A_172 = arith.constant 0 : index
    %get3A_173 = vector.load %arg7[%get3A_171, %get3A_172] : memref<1x1xf32, #tpu.memory_space<vmem>>, vector<1x1xf32>
    %reduce_sum3A_174 = vector.shape_cast %broadcast_in_dim3A_156 : vector<512x1xf32> to vector<1x512x1xf32>
    %reduce_sum3A_175 = arith.constant dense<0.000000e+00> : vector<1xf32>
    %reduce_sum3A_176 = vector.multi_reduction <add>, %reduce_sum3A_174, %reduce_sum3A_175 [1, 2] : vector<1x512x1xf32> to vector<1xf32>
    %reduce_sum3A_177 = vector.shape_cast %reduce_sum3A_176 : vector<1xf32> to vector<1x1x1xf32>
    %reduce_sum3A_178 = vector.extract %reduce_sum3A_177[0, 0, 0] : f32 from vector<1x1x1xf32>
    %reshape3A_179 = vector.broadcast %reduce_sum3A_178 : f32 to vector<1x1xf32>
    %add3A_180 = arith.addf %get3A_173, %reshape3A_179 : vector<1x1xf32>
    %swap3A_181 = arith.constant 0 : index
    %swap3A_182 = arith.constant 0 : index
    %swap3A_183 = vector.load %arg7[%swap3A_181, %swap3A_182] : memref<1x1xf32, #tpu.memory_space<vmem>>, vector<1x1xf32>
    tpu.vector_store %arg7[%swap3A_181, %swap3A_182], %add3A_180 {strides = array<i32>} : memref<1x1xf32, #tpu.memory_space<vmem>>, vector<1x1xf32>,
    %eq3A_184 = arith.constant 15 : i32
    %eq3A_185 = arith.cmpi eq, %arg0, %eq3A_184 : i32
    %convert_element_type3A_186 = arith.extui %eq3A_185 : i1 to i32
    %cond3A_187 = arith.constant 0 : i32
    %cond3A_188 = arith.cmpi ne, %convert_element_type3A_186, %cond3A_187 : i32
    scf.if %cond3A_188 {
      %get3A_189 = arith.constant 0 : index
      %get3A_190 = arith.constant 0 : index
      %get3A_191 = vector.load %arg7[%get3A_189, %get3A_190] : memref<1x1xf32, #tpu.memory_space<vmem>>, vector<1x1xf32>
      %div3A = arith.constant 0x4B000000 : f32
      %div3A_192 = vector.broadcast %div3A : f32 to vector<1x1xf32>
      %div3A_193 = arith.divf %get3A_191, %div3A_192 : vector<1x1xf32>
      %mul3A_194 = arith.constant 2.500000e-01 : f32
      %mul3A_195 = vector.broadcast %mul3A_194 : f32 to vector<1x1xf32>
      %mul3A_196 = arith.mulf %mul3A_195, %div3A_193 : vector<1x1xf32>
      %add3A_197 = arith.addf %div3A_193, %mul3A_196 : vector<1x1xf32>
      %swap3A_198 = arith.constant 0 : index
      %swap3A_199 = arith.constant 0 : index
      %swap3A_200 = vector.load %arg6[%swap3A_198, %swap3A_199] : memref<1x1xf32, #tpu.memory_space<vmem>>, vector<1x1xf32>
      tpu.vector_store %arg6[%swap3A_198, %swap3A_199], %add3A_197 {strides = array<i32>} : memref<1x1xf32, #tpu.memory_space<vmem>>, vector<1x1xf32>,
    } else {
    }
    return
  }
  func.func @transform_0(%arg0: i32) -> (i32, i32) {
    %c0_i32 = arith.constant 0 : i32
    %c0_i32_0 = arith.constant 0 : i32
    return %arg0, %c0_i32 : i32, i32
  }
  func.func @transform_1(%arg0: i32) -> (i32, i32) {
    %c0_i32 = arith.constant 0 : i32
    %c0_i32_0 = arith.constant 0 : i32
    %c0_i32_1 = arith.constant 0 : i32
    return %c0_i32, %c0_i32_0 : i32, i32
  }
  func.func @transform_2(%arg0: i32) -> (i32, i32) {
    %c0_i32 = arith.constant 0 : i32
    %c0_i32_0 = arith.constant 0 : i32
    %c0_i32_1 = arith.constant 0 : i32
    return %c0_i32, %c0_i32_0 : i32, i32
  }
  func.func @transform_3(%arg0: i32) -> (i32, i32) {
    %c0_i32 = arith.constant 0 : i32
    %c0_i32_0 = arith.constant 0 : i32
    %c0_i32_1 = arith.constant 0 : i32
    return %c0_i32, %c0_i32_0 : i32, i32
  }
  func.func @transform_4(%arg0: i32) -> (i32, i32) {
    %c0_i32 = arith.constant 0 : i32
    %c0_i32_0 = arith.constant 0 : i32
    return %arg0, %c0_i32 : i32, i32
  }
  func.func @transform_5(%arg0: i32) -> (i32, i32) {
    %c0_i32 = arith.constant 0 : i32
    %c0_i32_0 = arith.constant 0 : i32
    %c0_i32_1 = arith.constant 0 : i32
    return %c0_i32, %c0_i32_0 : i32, i32
  }
}

</mosaic_0001>

<sc_bundles>
// kernel: kernel.4.cloned.1.call-start
scs
__scs_entry_jumppad:
0x0: {  	(pc) =	sbr.rel $0x88, $3  }
0x1: {  	(tag) =	ssettag $0x0;
	lr =	simm.s32 $0x1  }
0x2: {  	[smem:$0x3F9F] =	sst lr;
	_ =	strace $0xD0000000  }
0x3: {  	_ = 	snop  }
0x4: {  	_ = 	snop  }
0x5: {  	_ = 	snop  }
0x6: {  	_ = 	snop  }
0x7: {  	_ = 	snop  }
__scs_overlays_trampoline_lowered:
0x8: {  	[smem:$0x3FAE] =	sst s0  }
0x9: {  	[smem:$0x3FAF] =	sst s1  }
0xa: {  	[smem:$0x3FB0] =	sst s2  }
0xb: {  	[smem:$0x3FB1] =	sst s3  }
0xc: {  	[smem:$0x3FB2] =	sst s4  }
0xd: {  	[smem:$0x3FB3] =	sst s5  }
0xe: {  	[smem:$0x3FB4] =	sst s6  }
0xf: {  	[smem:$0x3FB5] =	sst s7  }
0x10: {  	[smem:$0x3FB6] =	sst s8  }
0x11: {  	[smem:$0x3FB7] =	sst s9;
	s0 =	simm.s32 @!p0 $0x0  }
0x12: {  	s1 =	sld [smem:$0x3F9D];
	s0 =	simm.s32 @p0 $0x1  }
0x13: {  	[smem:$0x3FB8] =	sst s0;
	s0 =	simm.s32 @!p1 $0x0  }
0x14: {  	s2 =	sld [smem:$0x3F9C];
	s0 =	simm.s32 @p1 $0x1  }
0x15: {  	[smem:$0x3FB9] =	sst s0;
	s0 =	simm.s32 @!p2 $0x0  }
0x16: {  	s3 =	sld [smem:$0x3FDB];
	s0 =	simm.s32 @p2 $0x1  }
0x17: {  	s4 =	simm.s32 $0x1BF5;
	[smem:$0x3FBB] =	sst s0  }
0x18: {  	s0 =	sld [smem:$0x3F9E];
	_ =	swait.ge [sflag:s4], $0x0  }
0x19: {  	s7 =	sld [smem:$0x3F9F]  }
0x1a: {  	s8 =	sadd.s32 $0xFFFFE003, lr  }
0x1b: {  	s9 =	sadd.s32 $0xFFFFFEF7, lr;
	s5 =	simm.s32 $0xFFFFFFFF;
	p2 =	slt.u32 s8, $0xFFFFF086  }
0x1c: {  	p1 =	slt.u32 s9, $0xF7A;
	s5 =	simm.s32 @!p2 $0x0  }
0x1d: {  	s5 =	simm.s32 @p1 $0x1;
	p0 =	seq.s32 s7, s2  }
0x1e: {  	s7 =	smul.u32 @!p0 $0xF7A, s2;
	p2 =	seq.s32 @!p0 s5, $0x0  }
0x1f: {  	s9 =	smul.u32 $0xF7A, s1;
	s8 =	simm.s32 @!p0 $0x1BF5;
	p2 =	por !p2, p0  }
0x20: {  	[sflag:s8] =	ssyncset.s32 @!p0 $0xFFFFF086;
	s6 =	sadd.s32 @!p0 s3, s7;
	s7 =	simm.s32 @!p0 $0x108  }
0x21: {  	s3 =	sadd.s32 s3, s9;
	s6 =	sadd.s32 @!p0 $0x88, s6;
	s7 =	simm.s32 @p2 $0x1082  }
0x22: {  	[simem:s7], [sflag:s8] =	dma.local @!p0 [hbm:s6], $0xF7A  }
0x23: {  	s9 =	sor.u32 $0xD0000000, s2;
	s6 =	simm.s32 $0x108;
	_ =	swait.ge @!p0 [sflag:s8], $0x0  }
0x24: {  	s3 =	sadd.s32 $0x88, s3;
	s6 =	simm.s32 @!p1 $0x1082;
	[sflag:s4] =	ssyncset.s32 $0xFFFFF086  }
0x25: {  	[simem:s6], [sflag:s4] =	dma.local [hbm:s3], $0xF7A  }
0x26: {  	[smem:$0x3F9F] =	sst s1;
	(tag) =	ssettag s2;
	_ =	strace s9  }
0x27: {  	s1 =	sld [smem:$0x3FAF]  }
0x28: {  	s2 =	sld [smem:$0x3FB0]  }
0x29: {  	s4 =	sld [smem:$0x3FB2]  }
0x2a: {  	p0 =	seq.s32 s5, $0x0;
	s5 =	sld [smem:$0x3FB3]  }
0x2b: {  	s6 =	sld [smem:$0x3FB4]  }
0x2c: {  	s7 =	sld [smem:$0x3FB5]  }
0x2d: {  	s3 =	simm.s32 $0x108;
	s8 =	sld [smem:$0x3FB6]  }
0x2e: {  	s3 =	simm.s32 @!p0 $0x1082;
	s9 =	sld [smem:$0x3FB7]  }
0x2f: {  	lr =	sadd.s32 s0, s3;
	s0 =	sld [smem:$0x3FAE]  }
0x30: {  	s3 =	sld [smem:$0x3FB1]  }
0x31: {  	[smem:$0x3FBA] =	sst s10  }
0x32: {  	s10 =	sld [smem:$0x3FB8];
	_ =	sdelay $0x3  }
0x33: {  	p0 =	seq.s32 s10, $0x1;
	s10 =	sld [smem:$0x3FBA];
	_ =	sdelay $0x3  }
0x34: {  	[smem:$0x3FBA] =	sst s10  }
0x35: {  	s10 =	sld [smem:$0x3FB9];
	_ =	sdelay $0x3  }
0x36: {  	p1 =	seq.s32 s10, $0x1;
	s10 =	sld [smem:$0x3FBA];
	_ =	sdelay $0x3  }
0x37: {  	[smem:$0x3FBA] =	sst s10  }
0x38: {  	s10 =	sld [smem:$0x3FBB]  }
0x39: {  	_ = 	snop;
	(pc) =	sbr.ind lr, $3  }
0x3a: {  	_ = 	snop  }
0x3b: {  	_ = 	snop  }
0x3c: {  	p2 =	seq.s32 s10, $0x1;
	s10 =	sld [smem:$0x3FBA]  }
0x3d: {  	_ =	shalt  }
0x3e: {  	_ =	shalt  }
0x3f: {  	_ =	shalt  }
0x40: {  	_ =	shalt  }
0x41: {  	_ =	shalt  }
0x42: {  	_ =	shalt  }
0x43: {  	_ =	shalt  }
0x44: {  	_ =	shalt  }
0x45: {  	_ =	shalt  }
0x46: {  	_ =	shalt  }
0x47: {  	_ =	shalt  }
0x48: {  	_ =	shalt  }
0x49: {  	_ =	shalt  }
0x4a: {  	_ =	shalt  }
0x4b: {  	_ =	shalt  }
0x4c: {  	_ =	shalt  }
0x4d: {  	_ =	shalt  }
0x4e: {  	_ =	shalt  }
0x4f: {  	_ =	shalt  }
0x50: {  	_ =	shalt  }
0x51: {  	_ =	shalt  }
0x52: {  	_ =	shalt  }
0x53: {  	_ =	shalt  }
0x54: {  	_ =	shalt  }
0x55: {  	_ =	shalt  }
0x56: {  	_ =	shalt  }
0x57: {  	_ =	shalt  }
0x58: {  	_ =	shalt  }
0x59: {  	_ =	shalt  }
0x5a: {  	_ =	shalt  }
0x5b: {  	_ =	shalt  }
0x5c: {  	_ =	shalt  }
0x5d: {  	_ =	shalt  }
0x5e: {  	_ =	shalt  }
0x5f: {  	_ =	shalt  }
0x60: {  	_ =	shalt  }
0x61: {  	_ =	shalt  }
0x62: {  	_ =	shalt  }
0x63: {  	_ =	shalt  }
0x64: {  	_ =	shalt  }
0x65: {  	_ =	shalt  }
0x66: {  	_ =	shalt  }
0x67: {  	_ =	shalt  }
0x68: {  	_ =	shalt  }
0x69: {  	_ =	shalt  }
0x6a: {  	_ =	shalt  }
0x6b: {  	_ =	shalt  }
0x6c: {  	_ =	shalt  }
0x6d: {  	_ =	shalt  }
0x6e: {  	_ =	shalt  }
0x6f: {  	_ =	shalt  }
0x70: {  	_ =	shalt  }
0x71: {  	_ =	shalt  }
0x72: {  	_ =	shalt  }
0x73: {  	_ =	shalt  }
0x74: {  	_ =	shalt  }
0x75: {  	_ =	shalt  }
0x76: {  	_ =	shalt  }
0x77: {  	_ =	shalt  }
0x78: {  	_ =	shalt  }
0x79: {  	_ =	shalt  }
0x7a: {  	_ =	shalt  }
0x7b: {  	_ =	shalt  }
0x7c: {  	_ =	shalt  }
0x7d: {  	_ =	shalt  }
0x7e: {  	_ =	shalt  }
0x7f: {  	_ =	shalt  }
0x80: {  	_ =	shalt  }
0x81: {  	_ =	shalt  }
0x82: {  	_ =	shalt  }
0x83: {  	_ =	shalt  }
0x84: {  	_ =	shalt  }
0x85: {  	_ =	shalt  }
0x86: {  	_ =	shalt  }
0x87: {  	_ =	shalt  }
.Lfunc_end0:
.L_simem_size_0:
called_computation_lowered:
.L_overlay_start_0:
0x88: {  	s2 =	sld [smem:$0x3FD9]  }
0x89: {  	s3 =	sld [smem:$0x3FFE];
	_ =	sdelay $0x1  }
0x8a: {  	s1 =	srdreg.scid  }
0x8b: {  	s0 =	sand.u32 $0x1, s1  }
0x8c: {  	s14 =	sshll.u32 s0, $0xA;
	s2 =	sadd.s32 s3, s2  }
0x8d: {  	s2 =	sadd.s32 s2, s14  }
0x8e: {  	[smem:$0x3FC6] =	sst s2  }
0x8f: {  	_ = 	snop  }
0x90: {  	s2 =	sld [smem:$0x3FD0];
	_ =	sdelay $0x2  }
0x91: {  	s4 =	simm.s32 $0xA;
	s5 =	simm.s32 $0x10;
	s15 =	sld [smem:$0x3FC8]  }
0x92: {  	[smem:s5], [sflag:s4] =	dma.local [hbm:s2], $0x1  }
0x93: {  	_ =	swait.eq [sflag:s4], $0x1  }
0x94: {  	[sflag:s4] =	ssyncset.done $0x0  }
0x95: {  	[sflag:s4] =	ssyncadd.s32 $0xFFFFFFFF  }
0x96: {  	s16 =	sld [smem:$0x10];
	(tm) =	ssettm $0x1  }
0x97: {  	s17 =	sld [smem:$0x3FFB];
	_ =	sdelay $0x3  }
0x98: {  	_ =	strace s17  }
0x99: {  	s4 =	sld [smem:$0x3FFC];
	_ =	sdelay $0x3  }
0x9a: {  	_ =	strace s4  }
0x9b: {  	s4 =	sld [smem:$0x3FFD];
	_ =	sdelay $0x3  }
0x9c: {  	_ =	strace s4  }
0x9d: {  	_ =	strace $0x8FFFFFFF  }
0x9e: {  	s18 =	sld [smem:$0x3FDB];
	_ =	sdelay $0x1  }
0x9f: {  	s19 =	simm.s32 $_scs_section_size  }
0xa0: {  	s6 =	simm.s32 $_size__tile_overlayer_lowered;
	s7 =	simm.s32 $_tile_overlayer_lowered  }
0xa1: {  	s22 =	simm.s32 $0x1BFF;
	s21 =	sshll.u32 s7, $0x1;
	s4 =	sadd.s32 s19, s18  }
0xa2: {  	s8 =	simm.s32 $0x0;
	s20 =	sshll.u32 s6, $0x1;
	s6 =	sadd.s32 s21, s4  }
0xa3: {  	[timem:s8], [sflag:s22] =	dma.local [hbm:s6], s20  }
0xa4: {  	_ =	swait.ge [sflag:s22], s20  }
0xa5: {  	s5 =	ssub.s32 $0x0, s20;
	[sflag:s22] =	ssyncset.done $0x0  }
0xa6: {  	[sflag:s22] =	ssyncadd.s32 s5;
	_ =	sdelay $0x1  }
0xa7: {  	s23 =	simm.s32 $0x1B8B  }
0xa8: {  	_ =	swait.ge [sflag:s23], $0x1  }
0xa9: {  	[sflag:s23] =	ssyncset.done $0x0  }
0xaa: {  	s25 =	simm.s32 $0x1B8E;
	s24 =	sld [smem:$0x3FFE];
	[sflag:s23] =	ssyncadd.s32 $0xFFFFFFFF  }
0xab: {  	s26 =	simm.s32 $execute0_lowered;
	[smem:$0x3FD2] =	sst s25  }
0xac: {  	s6 =	sshll.u32 s26, $0x1;
	_ =	strace $0x80000046;
	[dreg:$0x1] =	wrdreg $0xFFFFFFFF  }
0xad: {  	s28 =	simm.s32 $_size_execute0_lowered;
	s4 =	sadd.s32 s4, s6;
	[dreg:$0x0] =	wrdreg $0x0  }
0xae: {  	s6 =	sshll.u32 s28, $0x1;
	[dreg:$0x2] =	wrdreg s4  }
0xaf: {  	[dreg:$0x3] =	wrdreg s6  }
0xb0: {  	[dreg:$0x4] =	wrdreg $0xC0  }
0xb1: {  	_ =	task [dreg:s8], $0x5FFFF  }
0xb2: {  	[dreg:$0x1] =	wrdreg $0xFFFFFFFF  }
0xb3: {  	[dreg:$0x0] =	wrdreg $0x60  }
0xb4: {  	[dreg:$0x2] =	wrdreg s15  }
0xb5: {  	[dreg:$0x3] =	wrdreg s24  }
0xb6: {  	[dreg:$0x4] =	wrdreg s16  }
0xb7: {  	[dreg:$0x5] =	wrdreg $0x9  }
0xb8: {  	_ =	task.clear_ibuf [dreg:s8], $0x6FFFF;
	_ =	strace $0x90000046  }
0xb9: {  	s29 =	simm.s32 $0x9;
	_ =	strace $0x80000048  }
0xba: {  	_ =	swait.ge [sflag:s29], $0x1  }
0xbb: {  	[sflag:s29] =	ssyncadd.s32 $0xFFFFFFFF  }
0xbc: {  	_ =	strace $0x90000048  }
0xbd: {  	_ =	sfence  }
0xbe: {  	s30 =	sld [smem:$0x0];
	_ =	sdelay $0x2  }
0xbf: {  	s31 =	sshll.u32 s1, $0xD;
	s1 =	sshrl.u32 s1, $0x2  }
0xc0: {  	s3 =	sand.u32 $0x4000, s31;
	s1 =	sadd.s32 s1, s30  }
0xc1: {  	s0 =	sor.u32 s3, s0;
	s1 =	sshll.u32 s1, $0x11  }
0xc2: {  	s0 =	sor.u32 s1, s0  }
0xc3: {  	s0 =	sadd.s32 $0x8F2B, s0  }
0xc4: {  	[sflag:s0] =	ssyncadd.remote.s32 $0x1  }
0xc5: {  	_ =	sfence.sel $0xFFFF  }
0xc6: {  	[dreg:$0x0] =	wrdreg $0xFFFFFFFF;
	(pc) =	sbr.abs _section_cstart, $3  }
0xc7: {  	[dreg:$0x1] =	wrdreg $0xFFFFFFFF  }
0xc8: {  	_ =	task.clear_ibuf [dreg:s8], $0x2FFFF;
	_ =	strace $0x9FFFFFFF  }
0xc9: {  	(tm) =	ssettm $0x7FFFFFFF  }
tec
execute0_lowered:
.L_overlay_start_1:
0x0: {  	(tag) =	ssettag $0x1  }
0x1: {  	s1 =	rddreg [dreg:$0x0]  }
0x2: {  	s8 =	rddreg [dreg:$0x1]  }
0x3: {  	s4 =	rddreg [dreg:$0x2];
	s3 =	simm.s32 $0x0  }
0x4: {  	s2 =	simm.s32 $0xA00;
	[smem:$0x7FF] =	sst s3  }
0x5: {  	s7 =	simm.s32 $0x1A00;
	_ =	strace $0x80000047;
	[dreg:$0x5] =	wrdreg s2  }
0x6: {  	s10 =	simm.s32 $0x2200;
	[dreg:$0x7] =	wrdreg s7  }
0x7: {  	s11 =	simm.s32 $0x2A00;
	[dreg:$0x8] =	wrdreg s10  }
0x8: {  	s12 =	simm.s32 $0x3200;
	[dreg:$0x9] =	wrdreg s11  }
0x9: {  	s14 =	simm.s32 $0x3A00;
	[dreg:$0xa] =	wrdreg s12  }
0xa: {  	s15 =	simm.s32 $0x4A00;
	[dreg:$0xb] =	wrdreg s14  }
0xb: {  	s5 =	srdreg.scid;
	s17 =	simm.s32 $0x5200;
	[dreg:$0xd] =	wrdreg s15  }
0xc: {  	s0 =	stileid.u32;
	s19 =	simm.s32 $0x5A00;
	[dreg:$0xe] =	wrdreg s17  }
0xd: {  	s20 =	simm.s32 $0x6200;
	s21 =	simm.s32 $0x6A00;
	[dreg:$0xf] =	wrdreg s19  }
0xe: {  	s23 =	simm.s32 $0x7200;
	s24 =	simm.s32 $0x100;
	[dreg:$0x10] =	wrdreg s20  }
0xf: {  	s26 =	simm.s32 $0x8A00;
	s28 =	simm.s32 $0x9A00;
	[dreg:$0x11] =	wrdreg s21  }
0x10: {  	s29 =	simm.s32 $0xA200;
	s30 =	simm.s32 $0xAA00;
	[dreg:$0x12] =	wrdreg s23  }
0x11: {  	s5 =	sand.u32 $0x1, s5;
	s6 =	sshll.u32 s0, $0x10;
	[dreg:$0x14] =	wrdreg s24  }
0x12: {  	s13 =	sshll.u32 s0, $0xB;
	s4 =	sadd.s32 s6, s4;
	[dreg:$0x15] =	wrdreg s26  }
0x13: {  	s31 =	sshll.u32 s5, $0xF;
	s6 =	simm.s32 $0x1200;
	[dreg:$0x17] =	wrdreg s28  }
0x14: {  	s9 =	ssub.s32 $0x2, s5;
	s5 =	sshll.u32 s5, $0xA;
	[dreg:$0x18] =	wrdreg s29  }
0x15: {  	s10 =	simm.s32 $0x7A00;
	s11 =	simm.s32 $0x9200;
	[dreg:$0x19] =	wrdreg s30  }
0x16: {  	s12 =	simm.s32 $0xBA00;
	s14 =	simm.s32 $0xCA00;
	s15 =	simm.s32 $0xD200  }
0x17: {  	s17 =	simm.s32 $0xE200;
	s19 =	simm.s32 $0xF200;
	s20 =	simm.s32 $0xFA00  }
0x18: {  	s21 =	simm.s32 $0x1;
	s23 =	simm.s32 $0x3;
	[dreg:$0x6] =	wrdreg s6  }
0x19: {  	s24 =	simm.s32 $0x4;
	s4 =	sadd.s32 s31, s4;
	[dreg:$0x13] =	wrdreg s10  }
0x1a: {  	s7 =	sshrl.u32 s9, $0x1;
	s16 =	sor.u32 s5, s13;
	[dreg:$0x16] =	wrdreg s11  }
0x1b: {  	s31 =	simm.s32 $0xB200;
	s11 =	simm.s32 $0x4200;
	[dreg:$0x1b] =	wrdreg s12  }
0x1c: {  	s13 =	simm.s32 $0x180;
	s12 =	simm.s32 $0x8200;
	[dreg:$0x4] =	wrdreg s4  }
0x1d: {  	s6 =	ssub.s32 s9, s7;
	s9 =	simm.s32 $0x80;
	s18 =	sor.u32 $0xC0, s16  }
0x1e: {  	s22 =	sor.u32 $0x80, s16;
	s25 =	sor.u32 $0x40, s16;
	[dreg:$0x1a] =	wrdreg s31  }
0x1f: {  	[dreg:$0x1c] =	wrdreg s13;
	s13 =	simm.s32 $0xC200;
	s4 =	smax.u32 s6, $0x1  }
0x20: {  	[dreg:$0xc] =	wrdreg s9;
	s6 =	sshrl.u32 s18, $0x3;
	s7 =	sshrl.u32 s22, $0x3  }
0x21: {  	s10 =	sshrl.u32 s25, $0x3;
	s9 =	sshrl.u32 s16, $0x3;
	s16 =	simm.s32 $0xDA00  }
0x22: {  	v2 =	vlaneseq.u32;
	s18 =	simm.s32 $0xEA00;
	s22 =	simm.s32 $0x2;
	s25 =	simm.s32 $0x0  }
0x23: {  	vm0 =	vmmov $0xffff;
	v1 =	vshrl.u32 v2, $0x3;
	s5 =	sadd.s32 s6, s8;
	s6 =	sadd.s32 s7, s8;
	s7 =	sadd.s32 s10, s8  }
0x24: {  	v0 =	vand.u32 $0x7, v2;
	v2 =	vor.u32 $0x8, v2;
	v1 =	vmul.u32 $0x8, v1;
	s8 =	sadd.s32 s9, s8;
	s9 =	simm.s32 $0x5;
	s10 =	simm.s32 $0x200  }
.LBB2_1:
0x25: {  	s26 =	smov.u32 s8;
	s28 =	smov.u32 s7  }
0x26: {  	s29 =	smov.u32 s6;
	s30 =	smov.u32 s5;
	s31 =	simm.s32 $0x0  }
.LBB2_2:
0x27: {  	[tilespmem:s3], [sflag:$0x5] =	stream.linear.gather [hbm4b:s26+s3], $0x40, $0x38;
	[tilespmem:$0x10200] =	vst v63  }
0x28: {  	_ =	swait.ge [sflag:s9], $0x40  }
0x29: {  	[sflag:s9] =	ssyncset.done $0x0  }
0x2a: {  	[sflag:s9] =	ssyncadd.s32 $0xFFFFFFC0  }
0x2b: {  	v3 =	vld [tilespmem:$0x0];
	_ =	sdelay $0x4  }
0x2c: {  	v4 =	vshll.u32 v3, $0x1  }
0x2d: {  	v3 =	vand.u32 $0x7, v3;
	v4 =	vand.u32 $0xFFFFFFF0, v4  }
0x2e: {  	v3 =	vor.u32 v3, v4  }
0x2f: {  	v4 =	vperm.xlane v3, v0;
	_ =	sdelay $0x1  }
0x30: {  	v3 =	vperm.xlane v3, v2;
	v4 =	vadd.s32 v1, v4;
	_ =	sdelay $0x1  }
0x31: {  	v3 =	vadd.s32 v1, v3;
	_ =	sdelay $0x2  }
0x32: {  	[tilespmem:s10], [sflag:$0x1] =	stream.indirect_vreg.gather [hbm4b:s1+s3], $0x80, v4, vm0, $0xb8;
	[tilespmem:$0x10200] =	vst v63  }
0x33: {  	s0 =	rddreg [dreg:$0x5]  }
0x34: {  	[tilespmem:s0], [sflag:$0x1] =	stream.indirect_vreg.gather [hbm4b:s1+s3], $0x80, v3, vm0, $0xb8;
	[tilespmem:$0x10200] =	vst v63  }
0x35: {  	v3 =	vld [tilespmem:$0x10];
	_ =	sdelay $0x4  }
0x36: {  	v49 =	vshll.u32 v3, $0x1  }
0x37: {  	v3 =	vand.u32 $0x7, v3;
	v4 =	vand.u32 $0xFFFFFFF0, v49  }
0x38: {  	v3 =	vor.u32 v3, v4  }
0x39: {  	v4 =	vperm.xlane v3, v0;
	_ =	sdelay $0x1  }
0x3a: {  	v3 =	vperm.xlane v3, v2;
	v4 =	vadd.s32 v1, v4;
	_ =	sdelay $0x1  }
0x3b: {  	v3 =	vadd.s32 v1, v3;
	_ =	sdelay $0x1  }
0x3c: {  	s0 =	rddreg [dreg:$0x6]  }
0x3d: {  	[tilespmem:s0], [sflag:$0x1] =	stream.indirect_vreg.gather [hbm4b:s1+s3], $0x80, v4, vm0, $0xb8;
	[tilespmem:$0x10200] =	vst v63  }
0x3e: {  	s2 =	rddreg [dreg:$0x7]  }
0x3f: {  	[tilespmem:s2], [sflag:$0x1] =	stream.indirect_vreg.gather [hbm4b:s1+s3], $0x80, v3, vm0, $0xb8;
	[tilespmem:$0x10200] =	vst v63  }
0x40: {  	v3 =	vld [tilespmem:$0x20];
	_ =	sdelay $0x4  }
0x41: {  	v50 =	vshll.u32 v3, $0x1  }
0x42: {  	v3 =	vand.u32 $0x7, v3;
	v4 =	vand.u32 $0xFFFFFFF0, v50  }
0x43: {  	v3 =	vor.u32 v3, v4  }
0x44: {  	v4 =	vperm.xlane v3, v0;
	_ =	sdelay $0x1  }
0x45: {  	v3 =	vperm.xlane v3, v2;
	v4 =	vadd.s32 v1, v4;
	_ =	sdelay $0x1  }
0x46: {  	v3 =	vadd.s32 v1, v3;
	_ =	sdelay $0x1  }
0x47: {  	s0 =	rddreg [dreg:$0x8]  }
0x48: {  	[tilespmem:s0], [sflag:$0x1] =	stream.indirect_vreg.gather [hbm4b:s1+s3], $0x80, v4, vm0, $0xb8;
	[tilespmem:$0x10200] =	vst v63  }
0x49: {  	s2 =	rddreg [dreg:$0x9]  }
0x4a: {  	[tilespmem:s2], [sflag:$0x1] =	stream.indirect_vreg.gather [hbm4b:s1+s3], $0x80, v3, vm0, $0xb8;
	[tilespmem:$0x10200] =	vst v63  }
0x4b: {  	v3 =	vld [tilespmem:$0x30];
	_ =	sdelay $0x4  }
0x4c: {  	v51 =	vshll.u32 v3, $0x1  }
0x4d: {  	v3 =	vand.u32 $0x7, v3;
	v4 =	vand.u32 $0xFFFFFFF0, v51  }
0x4e: {  	v3 =	vor.u32 v3, v4  }
0x4f: {  	v4 =	vperm.xlane v3, v0;
	_ =	sdelay $0x1  }
0x50: {  	v3 =	vperm.xlane v3, v2;
	v4 =	vadd.s32 v1, v4;
	_ =	sdelay $0x1  }
0x51: {  	v3 =	vadd.s32 v1, v3;
	_ =	sdelay $0x1  }
0x52: {  	s0 =	rddreg [dreg:$0xa]  }
0x53: {  	[tilespmem:s0], [sflag:$0x1] =	stream.indirect_vreg.gather [hbm4b:s1+s3], $0x80, v4, vm0, $0xb8;
	[tilespmem:$0x10200] =	vst v63  }
0x54: {  	s2 =	rddreg [dreg:$0xb]  }
0x55: {  	[tilespmem:s2], [sflag:$0x1] =	stream.indirect_vreg.gather [hbm4b:s1+s3], $0x80, v3, vm0, $0xb8;
	[tilespmem:$0x10200] =	vst v63  }
0x56: {  	s0 =	rddreg [dreg:$0xc]  }
0x57: {  	[tilespmem:s0], [sflag:$0x5] =	stream.linear.gather [hbm4b:s28+s3], $0x40, $0x38;
	[tilespmem:$0x10200] =	vst v63  }
0x58: {  	_ =	swait.ge [sflag:s9], $0x40  }
0x59: {  	[sflag:s9] =	ssyncset.done $0x0  }
0x5a: {  	[sflag:s9] =	ssyncadd.s32 $0xFFFFFFC0  }
0x5b: {  	v3 =	vld [tilespmem:$0x80];
	_ =	sdelay $0x4  }
0x5c: {  	v52 =	vshll.u32 v3, $0x1  }
0x5d: {  	v3 =	vand.u32 $0x7, v3;
	v4 =	vand.u32 $0xFFFFFFF0, v52  }
0x5e: {  	v3 =	vor.u32 v3, v4  }
0x5f: {  	v4 =	vperm.xlane v3, v0;
	_ =	sdelay $0x1  }
0x60: {  	v3 =	vperm.xlane v3, v2;
	v4 =	vadd.s32 v1, v4;
	_ =	sdelay $0x1  }
0x61: {  	v3 =	vadd.s32 v1, v3;
	_ =	sdelay $0x2  }
0x62: {  	[tilespmem:s11], [sflag:$0x2] =	stream.indirect_vreg.gather [hbm4b:s1+s3], $0x80, v4, vm0, $0xb8;
	[tilespmem:$0x10200] =	vst v63  }
0x63: {  	s2 =	rddreg [dreg:$0xd]  }
0x64: {  	[tilespmem:s2], [sflag:$0x2] =	stream.indirect_vreg.gather [hbm4b:s1+s3], $0x80, v3, vm0, $0xb8;
	[tilespmem:$0x10200] =	vst v63  }
0x65: {  	v3 =	vld [tilespmem:$0x90];
	_ =	sdelay $0x4  }
0x66: {  	v53 =	vshll.u32 v3, $0x1  }
0x67: {  	v3 =	vand.u32 $0x7, v3;
	v4 =	vand.u32 $0xFFFFFFF0, v53  }
0x68: {  	v3 =	vor.u32 v3, v4  }
0x69: {  	v4 =	vperm.xlane v3, v0;
	_ =	sdelay $0x1  }
0x6a: {  	v3 =	vperm.xlane v3, v2;
	v4 =	vadd.s32 v1, v4;
	_ =	sdelay $0x1  }
0x6b: {  	v3 =	vadd.s32 v1, v3;
	_ =	sdelay $0x1  }
0x6c: {  	s0 =	rddreg [dreg:$0xe]  }
0x6d: {  	[tilespmem:s0], [sflag:$0x2] =	stream.indirect_vreg.gather [hbm4b:s1+s3], $0x80, v4, vm0, $0xb8;
	[tilespmem:$0x10200] =	vst v63  }
0x6e: {  	s2 =	rddreg [dreg:$0xf]  }
0x6f: {  	[tilespmem:s2], [sflag:$0x2] =	stream.indirect_vreg.gather [hbm4b:s1+s3], $0x80, v3, vm0, $0xb8;
	[tilespmem:$0x10200] =	vst v63  }
0x70: {  	v3 =	vld [tilespmem:$0xA0];
	_ =	sdelay $0x4  }
0x71: {  	v54 =	vshll.u32 v3, $0x1  }
0x72: {  	v3 =	vand.u32 $0x7, v3;
	v4 =	vand.u32 $0xFFFFFFF0, v54  }
0x73: {  	v3 =	vor.u32 v3, v4  }
0x74: {  	v4 =	vperm.xlane v3, v0;
	_ =	sdelay $0x1  }
0x75: {  	v3 =	vperm.xlane v3, v2;
	v4 =	vadd.s32 v1, v4;
	_ =	sdelay $0x1  }
0x76: {  	v3 =	vadd.s32 v1, v3;
	_ =	sdelay $0x1  }
0x77: {  	s0 =	rddreg [dreg:$0x10]  }
0x78: {  	[tilespmem:s0], [sflag:$0x2] =	stream.indirect_vreg.gather [hbm4b:s1+s3], $0x80, v4, vm0, $0xb8;
	[tilespmem:$0x10200] =	vst v63  }
0x79: {  	s2 =	rddreg [dreg:$0x11]  }
0x7a: {  	[tilespmem:s2], [sflag:$0x2] =	stream.indirect_vreg.gather [hbm4b:s1+s3], $0x80, v3, vm0, $0xb8;
	[tilespmem:$0x10200] =	vst v63  }
0x7b: {  	v3 =	vld [tilespmem:$0xB0];
	_ =	sdelay $0x4  }
0x7c: {  	v55 =	vshll.u32 v3, $0x1  }
0x7d: {  	v3 =	vand.u32 $0x7, v3;
	v4 =	vand.u32 $0xFFFFFFF0, v55  }
0x7e: {  	v3 =	vor.u32 v3, v4  }
0x7f: {  	v4 =	vperm.xlane v3, v0;
	_ =	sdelay $0x1  }
0x80: {  	v3 =	vperm.xlane v3, v2;
	v4 =	vadd.s32 v1, v4;
	_ =	sdelay $0x1  }
0x81: {  	v3 =	vadd.s32 v1, v3;
	_ =	sdelay $0x1  }
0x82: {  	s0 =	rddreg [dreg:$0x12]  }
0x83: {  	[tilespmem:s0], [sflag:$0x2] =	stream.indirect_vreg.gather [hbm4b:s1+s3], $0x80, v4, vm0, $0xb8;
	[tilespmem:$0x10200] =	vst v63  }
0x84: {  	s2 =	rddreg [dreg:$0x13]  }
0x85: {  	[tilespmem:s2], [sflag:$0x2] =	stream.indirect_vreg.gather [hbm4b:s1+s3], $0x80, v3, vm0, $0xb8;
	[tilespmem:$0x10200] =	vst v63  }
0x86: {  	s0 =	rddreg [dreg:$0x14]  }
0x87: {  	[tilespmem:s0], [sflag:$0x5] =	stream.linear.gather [hbm4b:s29+s3], $0x40, $0x38;
	[tilespmem:$0x10200] =	vst v63  }
0x88: {  	_ =	swait.ge [sflag:s9], $0x40  }
0x89: {  	[sflag:s9] =	ssyncset.done $0x0  }
0x8a: {  	[sflag:s9] =	ssyncadd.s32 $0xFFFFFFC0  }
0x8b: {  	v3 =	vld [tilespmem:$0x100];
	_ =	sdelay $0x4  }
0x8c: {  	v56 =	vshll.u32 v3, $0x1  }
0x8d: {  	v3 =	vand.u32 $0x7, v3;
	v4 =	vand.u32 $0xFFFFFFF0, v56  }
0x8e: {  	v3 =	vor.u32 v3, v4  }
0x8f: {  	v4 =	vperm.xlane v3, v0;
	_ =	sdelay $0x1  }
0x90: {  	v3 =	vperm.xlane v3, v2;
	v4 =	vadd.s32 v1, v4;
	_ =	sdelay $0x1  }
0x91: {  	v3 =	vadd.s32 v1, v3;
	_ =	sdelay $0x2  }
0x92: {  	[tilespmem:s12], [sflag:$0x3] =	stream.indirect_vreg.gather [hbm4b:s1+s3], $0x80, v4, vm0, $0xb8;
	[tilespmem:$0x10200] =	vst v63  }
0x93: {  	s2 =	rddreg [dreg:$0x15]  }
0x94: {  	[tilespmem:s2], [sflag:$0x3] =	stream.indirect_vreg.gather [hbm4b:s1+s3], $0x80, v3, vm0, $0xb8;
	[tilespmem:$0x10200] =	vst v63  }
0x95: {  	v3 =	vld [tilespmem:$0x110];
	_ =	sdelay $0x4  }
0x96: {  	v57 =	vshll.u32 v3, $0x1  }
0x97: {  	v3 =	vand.u32 $0x7, v3;
	v4 =	vand.u32 $0xFFFFFFF0, v57  }
0x98: {  	v3 =	vor.u32 v3, v4  }
0x99: {  	v4 =	vperm.xlane v3, v0;
	_ =	sdelay $0x1  }
0x9a: {  	v3 =	vperm.xlane v3, v2;
	v4 =	vadd.s32 v1, v4;
	_ =	sdelay $0x1  }
0x9b: {  	v3 =	vadd.s32 v1, v3;
	_ =	sdelay $0x1  }
0x9c: {  	s0 =	rddreg [dreg:$0x16]  }
0x9d: {  	[tilespmem:s0], [sflag:$0x3] =	stream.indirect_vreg.gather [hbm4b:s1+s3], $0x80, v4, vm0, $0xb8;
	[tilespmem:$0x10200] =	vst v63  }
0x9e: {  	s2 =	rddreg [dreg:$0x17]  }
0x9f: {  	[tilespmem:s2], [sflag:$0x3] =	stream.indirect_vreg.gather [hbm4b:s1+s3], $0x80, v3, vm0, $0xb8;
	[tilespmem:$0x10200] =	vst v63  }
0xa0: {  	v3 =	vld [tilespmem:$0x120];
	_ =	sdelay $0x4  }
0xa1: {  	v58 =	vshll.u32 v3, $0x1  }
0xa2: {  	v3 =	vand.u32 $0x7, v3;
	v4 =	vand.u32 $0xFFFFFFF0, v58  }
0xa3: {  	v3 =	vor.u32 v3, v4  }
0xa4: {  	v4 =	vperm.xlane v3, v0;
	_ =	sdelay $0x1  }
0xa5: {  	v3 =	vperm.xlane v3, v2;
	v4 =	vadd.s32 v1, v4;
	_ =	sdelay $0x1  }
0xa6: {  	v3 =	vadd.s32 v1, v3;
	_ =	sdelay $0x1  }
0xa7: {  	s0 =	rddreg [dreg:$0x18]  }
0xa8: {  	[tilespmem:s0], [sflag:$0x3] =	stream.indirect_vreg.gather [hbm4b:s1+s3], $0x80, v4, vm0, $0xb8;
	[tilespmem:$0x10200] =	vst v63  }
0xa9: {  	s2 =	rddreg [dreg:$0x19]  }
0xaa: {  	[tilespmem:s2], [sflag:$0x3] =	stream.indirect_vreg.gather [hbm4b:s1+s3], $0x80, v3, vm0, $0xb8;
	[tilespmem:$0x10200] =	vst v63  }
0xab: {  	v3 =	vld [tilespmem:$0x130];
	_ =	sdelay $0x4  }
0xac: {  	v59 =	vshll.u32 v3, $0x1  }
0xad: {  	v3 =	vand.u32 $0x7, v3;
	v4 =	vand.u32 $0xFFFFFFF0, v59  }
0xae: {  	v3 =	vor.u32 v3, v4  }
0xaf: {  	v4 =	vperm.xlane v3, v0;
	_ =	sdelay $0x1  }
0xb0: {  	v3 =	vperm.xlane v3, v2;
	v4 =	vadd.s32 v1, v4;
	_ =	sdelay $0x1  }
0xb1: {  	v3 =	vadd.s32 v1, v3;
	_ =	sdelay $0x1  }
0xb2: {  	s0 =	rddreg [dreg:$0x1a]  }
0xb3: {  	[tilespmem:s0], [sflag:$0x3] =	stream.indirect_vreg.gather [hbm4b:s1+s3], $0x80, v4, vm0, $0xb8;
	[tilespmem:$0x10200] =	vst v63  }
0xb4: {  	s2 =	rddreg [dreg:$0x1b]  }
0xb5: {  	[tilespmem:s2], [sflag:$0x3] =	stream.indirect_vreg.gather [hbm4b:s1+s3], $0x80, v3, vm0, $0xb8;
	[tilespmem:$0x10200] =	vst v63  }
0xb6: {  	s0 =	rddreg [dreg:$0x1c]  }
0xb7: {  	[tilespmem:s0], [sflag:$0x5] =	stream.linear.gather [hbm4b:s30+s3], $0x40, $0x38;
	[tilespmem:$0x10200] =	vst v63  }
0xb8: {  	_ =	swait.ge [sflag:s9], $0x40  }
0xb9: {  	[sflag:s9] =	ssyncset.done $0x0  }
0xba: {  	[sflag:s9] =	ssyncadd.s32 $0xFFFFFFC0  }
0xbb: {  	v3 =	vld [tilespmem:$0x180];
	_ =	sdelay $0x4  }
0xbc: {  	v60 =	vshll.u32 v3, $0x1  }
0xbd: {  	v3 =	vand.u32 $0x7, v3;
	v4 =	vand.u32 $0xFFFFFFF0, v60  }
0xbe: {  	v3 =	vor.u32 v3, v4  }
0xbf: {  	v4 =	vperm.xlane v3, v0;
	_ =	sdelay $0x1  }
0xc0: {  	v3 =	vperm.xlane v3, v2;
	v4 =	vadd.s32 v1, v4;
	_ =	sdelay $0x1  }
0xc1: {  	v3 =	vadd.s32 v1, v3;
	_ =	sdelay $0x2  }
0xc2: {  	[tilespmem:s13], [sflag:$0x4] =	stream.indirect_vreg.gather [hbm4b:s1+s3], $0x80, v4, vm0, $0xb8;
	[tilespmem:$0x10200] =	vst v63  }
0xc3: {  	_ = 	snop  }
0xc4: {  	[tilespmem:s14], [sflag:$0x4] =	stream.indirect_vreg.gather [hbm4b:s1+s3], $0x80, v3, vm0, $0xb8;
	[tilespmem:$0x10200] =	vst v63  }
0xc5: {  	v3 =	vld [tilespmem:$0x190];
	_ =	sdelay $0x4  }
0xc6: {  	v61 =	vshll.u32 v3, $0x1  }
0xc7: {  	v3 =	vand.u32 $0x7, v3;
	v4 =	vand.u32 $0xFFFFFFF0, v61  }
0xc8: {  	v3 =	vor.u32 v3, v4  }
0xc9: {  	v4 =	vperm.xlane v3, v0;
	_ =	sdelay $0x1  }
0xca: {  	v3 =	vperm.xlane v3, v2;
	v4 =	vadd.s32 v1, v4;
	_ =	sdelay $0x1  }
0xcb: {  	v3 =	vadd.s32 v1, v3;
	_ =	sdelay $0x2  }
0xcc: {  	[tilespmem:s15], [sflag:$0x4] =	stream.indirect_vreg.gather [hbm4b:s1+s3], $0x80, v4, vm0, $0xb8;
	[tilespmem:$0x10200] =	vst v63  }
0xcd: {  	_ = 	snop  }
0xce: {  	[tilespmem:s16], [sflag:$0x4] =	stream.indirect_vreg.gather [hbm4b:s1+s3], $0x80, v3, vm0, $0xb8;
	[tilespmem:$0x10200] =	vst v63  }
0xcf: {  	v3 =	vld [tilespmem:$0x1A0];
	_ =	sdelay $0x4  }
0xd0: {  	v62 =	vshll.u32 v3, $0x1  }
0xd1: {  	v3 =	vand.u32 $0x7, v3;
	v4 =	vand.u32 $0xFFFFFFF0, v62  }
0xd2: {  	v3 =	vor.u32 v3, v4  }
0xd3: {  	v4 =	vperm.xlane v3, v0;
	_ =	sdelay $0x1  }
0xd4: {  	v3 =	vperm.xlane v3, v2;
	v4 =	vadd.s32 v1, v4;
	_ =	sdelay $0x1  }
0xd5: {  	v3 =	vadd.s32 v1, v3;
	_ =	sdelay $0x2  }
0xd6: {  	[tilespmem:s17], [sflag:$0x4] =	stream.indirect_vreg.gather [hbm4b:s1+s3], $0x80, v4, vm0, $0xb8;
	[tilespmem:$0x10200] =	vst v63  }
0xd7: {  	_ = 	snop  }
0xd8: {  	[tilespmem:s18], [sflag:$0x4] =	stream.indirect_vreg.gather [hbm4b:s1+s3], $0x80, v3, vm0, $0xb8;
	[tilespmem:$0x10200] =	vst v63  }
0xd9: {  	v3 =	vld [tilespmem:$0x1B0];
	_ =	sdelay $0x4  }
0xda: {  	v63 =	vshll.u32 v3, $0x1  }
0xdb: {  	v3 =	vand.u32 $0x7, v3;
	v4 =	vand.u32 $0xFFFFFFF0, v63  }
0xdc: {  	v3 =	vor.u32 v3, v4  }
0xdd: {  	v4 =	vperm.xlane v3, v0;
	_ =	sdelay $0x1  }
0xde: {  	v3 =	vperm.xlane v3, v2;
	v4 =	vadd.s32 v1, v4;
	_ =	sdelay $0x1  }
0xdf: {  	v3 =	vadd.s32 v1, v3;
	_ =	sdelay $0x2  }
0xe0: {  	[tilespmem:s19], [sflag:$0x4] =	stream.indirect_vreg.gather [hbm4b:s1+s3], $0x80, v4, vm0, $0xb8;
	[tilespmem:$0x10200] =	vst v63  }
0xe1: {  	_ = 	snop  }
0xe2: {  	[tilespmem:s20], [sflag:$0x4] =	stream.indirect_vreg.gather [hbm4b:s1+s3], $0x80, v3, vm0, $0xb8;
	[tilespmem:$0x10200] =	vst v63  }
0xe3: {  	_ =	swait.ge [sflag:s21], $0x4000  }
0xe4: {  	s2 =	rddreg [dreg:$0x4];
	[sflag:s21] =	ssyncset.done $0x0  }
0xe5: {  	[sflag:s21] =	ssyncadd.s32 $0xFFFFC000;
	s0 =	sadd.s32 s31, s2  }
0xe6: {  	[hbm4b:s0+s3] =	stream.linear.scatter [tilespmem:s10], [sflag:$0x5], $0x4000, $0x38;
	[tilespmem:$0x10200] =	vst v63  }
0xe7: {  	_ =	swait.ge [sflag:s9], $0x4000  }
0xe8: {  	[sflag:s9] =	ssyncset.done $0x0  }
0xe9: {  	[sflag:s9] =	ssyncadd.s32 $0xFFFFC000  }
0xea: {  	_ =	swait.ge [sflag:s22], $0x4000  }
0xeb: {  	[sflag:s22] =	ssyncset.done $0x0  }
0xec: {  	s2 =	sadd.s32 $0x800, s0;
	[sflag:s22] =	ssyncadd.s32 $0xFFFFC000  }
0xed: {  	[hbm4b:s2+s3] =	stream.linear.scatter [tilespmem:s11], [sflag:$0x5], $0x4000, $0x38;
	[tilespmem:$0x10200] =	vst v63  }
0xee: {  	_ =	swait.ge [sflag:s9], $0x4000  }
0xef: {  	[sflag:s9] =	ssyncset.done $0x0  }
0xf0: {  	[sflag:s9] =	ssyncadd.s32 $0xFFFFC000  }
0xf1: {  	_ =	swait.ge [sflag:s23], $0x4000  }
0xf2: {  	[sflag:s23] =	ssyncset.done $0x0  }
0xf3: {  	s2 =	sadd.s32 $0x1000, s0;
	[sflag:s23] =	ssyncadd.s32 $0xFFFFC000  }
0xf4: {  	[hbm4b:s2+s3] =	stream.linear.scatter [tilespmem:s12], [sflag:$0x5], $0x4000, $0x38;
	[tilespmem:$0x10200] =	vst v63  }
0xf5: {  	_ =	swait.ge [sflag:s9], $0x4000  }
0xf6: {  	[sflag:s9] =	ssyncset.done $0x0  }
0xf7: {  	[sflag:s9] =	ssyncadd.s32 $0xFFFFC000  }
0xf8: {  	_ =	swait.ge [sflag:s24], $0x4000  }
0xf9: {  	p0 =	sne.s32 s31, $0x6000;
	[sflag:s24] =	ssyncset.done $0x0  }
.Ltmp0:
0xfa: {  	s0 =	sadd.s32 $0x1800, s0;
	[sflag:s24] =	ssyncadd.s32 $0xFFFFC000;
	(pc) =	sbr.rel @p0 .LBB2_2-.Ltmp0, $4  }
0xfb: {  	[hbm4b:s0+s3] =	stream.linear.scatter [tilespmem:s13], [sflag:$0x5], $0x4000, $0x38;
	[tilespmem:$0x10200] =	vst v63  }
0xfc: {  	s26 =	sadd.s32 $0x20, s26;
	_ =	swait.ge [sflag:s9], $0x4000  }
0xfd: {  	s28 =	sadd.s32 $0x20, s28;
	s29 =	sadd.s32 $0x20, s29;
	[sflag:s9] =	ssyncset.done $0x0  }
0xfe: {  	s30 =	sadd.s32 $0x20, s30;
	s31 =	sadd.s32 $0x2000, s31;
	[sflag:s9] =	ssyncadd.s32 $0xFFFFC000  }
0xff: {  	s25 =	sadd.s32 $0x1, s25  }
0x100: {  	p0 =	sne.s32 s25, s4  }
.Ltmp1:
0x101: {  	_ = 	snop;
	(pc) =	sbr.rel @p0 .LBB2_1-.Ltmp1, $1  }
0x102: {  	_ =	sdelay $0x3  }
0x103: {  	_ =	sfence.sel $0x180000  }
0x104: {  	[bflag:$0x0] =	sbarrier.arrive $0xFFFF  }
0x105: {  	_ =	strace $0x90000047  }
0x106: {  	s0 =	stileid.u32;
	[bflag:$0x2] =	sbarrier.arrive $0xFFFF  }
0x107: {  	p0 =	sne.s32 s0, $0x0;
	s0 =	rddreg [dreg:$0x3]  }
0x108: {  	s0 =	sadd.s32 @!p0 $0x100000, s0  }
0x109: {  	[sflag:s0] =	ssyncadd.tile.s32 @!p0 $0x1;
	_ =	shalt  }
.Lfunc_end2:
_tile_overlayer_lowered:
.L_overlay_start_2:
0x10a: {  	(tag) =	ssettag $0x2  }
0x10b: {  	s0 =	rddreg [dreg:$0x0];
	s2 =	stileid.u32  }
0x10c: {  	s1 =	rddreg [dreg:$0x1];
	p0 =	sne.s32 s2, $0x0  }
0x10d: {  	s3 =	rddreg [dreg:$0x2];
	[bflag:$0x3] =	sbarrier.arrive $0xFFFF;
	s2 =	simm.s32 @!p0 $0x1C05  }
0x10e: {  	[timem:s3], [sflag:s2] =	dma.local @!p0 [hbm:s0], s1  }
0x10f: {  	s0 =	simm.s32 @!p0 $0x5  }
0x110: {  	_ =	swait.ge @!p0 [sflag:s0], s1  }
0x111: {  	s1 =	ssub.s32 @!p0 $0x0, s1;
	[sflag:s0] =	ssyncset.done @!p0 $0x0  }
0x112: {  	[sflag:s0] =	ssyncadd.s32 @!p0 s1  }
0x113: {  	[bflag:$0x3] =	sbarrier.arrive $0xFFFF  }
0x114: {  	_ =	shalt  }

</sc_bundles>
